<compile_context>
chip_gen: v7x
topology: tpu7x:2x2x1
jax: 0.10.2.dev20260603
libtpu: 0.0.44.dev20260713+nightly
codegen_flags: <defaults>
</compile_context>

<pallas_src>
import functools

import jax
import jax.numpy as jnp
from jax import lax
from jax.experimental import pallas as pl
from jax.experimental.pallas import tpu as pltpu
from jax.experimental.pallas import tpu_sc as plsc

VOCAB = 100000
EMB = 128
HID = 512
B = 64
S = 512

NC = 2
NS = 16
NW = NC * NS
CHUNK = 128

SPLITS = (64,)
NB = 4


def _sc_gather(table, ids, c0, bc):
  tpw = bc * S // NW
  chunks = tpw // CHUNK
  if tpw % S == 0:
    nrows = tpw // S
  elif tpw <= S:
    nrows = 1 if S % tpw == 0 else 2
  else:
    nrows = tpw // S + 2
  assert nrows <= bc, bc
  mesh = plsc.VectorSubcoreMesh(core_axis_name="c", subcore_axis_name="s")
  idx_shape = (nrows * S,)

  @functools.partial(
      pl.kernel,
      mesh=mesh,
      out_type=jax.ShapeDtypeStruct((bc, S, EMB), jnp.float32),
      scratch_types=[
          pltpu.VMEM(idx_shape, jnp.int32),
          pltpu.VMEM((2, CHUNK, EMB), jnp.float32),
          pltpu.SemaphoreType.DMA,
          pltpu.SemaphoreType.DMA,
          pltpu.SemaphoreType.DMA,
          pltpu.SemaphoreType.DMA,
      ],
  )
  def gather_kernel(table_hbm, ids_hbm, out_hbm, idx_v, rows_v, isem, gsem,
                    wsem0, wsem1):
    wsems = (wsem0, wsem1)
    wid = lax.axis_index("s") * NC + lax.axis_index("c")
    base = wid * tpw
    r0 = jnp.minimum(base // S, bc - nrows)
    col0 = base - r0 * S
    cps = [pltpu.make_async_copy(ids_hbm.at[c0 + r0 + r],
                                 idx_v.at[pl.ds(r * S, S)], isem)
           for r in range(nrows)]
    for cp in cps:
      cp.start()
    for cp in cps:
      cp.wait()

    def idx_slice(j):
      return idx_v.at[pl.ds(col0 + j * CHUNK, CHUNK)]

    def gather(j):
      g = pltpu.make_async_copy(table_hbm.at[idx_slice(j)], rows_v.at[j % 2],
                                gsem)
      g.start()
      return g

    def write(j):
      flat = base + j * CHUNK
      w = pltpu.make_async_copy(rows_v.at[j % 2],
                                out_hbm.at[flat // S, pl.ds(flat % S, CHUNK)],
                                wsems[j % 2])
      w.start()
      return w

    gathers = [gather(0)]
    writes = []
    for j in range(chunks):
      gathers[j].wait()
      if j + 1 < chunks:
        if j >= 1:
          writes[j - 1].wait()
        gathers.append(gather(j + 1))
      writes.append(write(j))
    for w in writes[max(0, chunks - 2):]:
      w.wait()

  return gather_kernel(table, ids)


def _tc_body(w_ref, ttit_ref, wt_ref, bt_ref, pos_ref, type_ref, nw_ref,
             nb_ref, *rest):
  out_ref = rest[-1]
  w = w_ref[...]
  zero = jnp.zeros((NB, 1, EMB), jnp.float32)
  left = jnp.concatenate([w[:, 1:], zero], axis=1)
  right = jnp.concatenate([zero, w[:, :-1]], axis=1)
  cat = jnp.concatenate([left, w, right], axis=2)
  cat2 = cat.reshape(NB * S, 3 * EMB)
  x = lax.dot_general(cat2, wt_ref[...], (((1,), (1,)), ((), ())),
                      preferred_element_type=jnp.float32)
  x3 = x.reshape(NB, S, HID)

  tt = type_ref[...]
  tdiff = tt[1:2] - tt[0:1]
  crow = bt_ref[...] + tt[0:1]
  pos = pos_ref[...]
  nw = nw_ref[...]
  nb = nb_ref[...]
  tcols = ttit_ref[0]
  for b in range(NB):
    colb = tcols[:, b:b + 1]
    emb = x3[b] + crow + pos + colb * tdiff
    out_ref[b] = emb * nw + nb


def _tc_call(b0, bc, prev, w3c, ttit, Wt, btr, pos_table, type_table, nwr,
             nbr):
  nsteps = bc // NB
  g0 = b0 // NB
  in_specs = [
      pl.BlockSpec((NB, S, EMB), lambda i: (i, 0, 0)),
      pl.BlockSpec((1, S, NB), functools.partial(lambda g0, i: (g0 + i, 0, 0), g0)),
      pl.BlockSpec((HID, 3 * EMB), lambda i: (0, 0)),
      pl.BlockSpec((1, HID), lambda i: (0, 0)),
      pl.BlockSpec((S, HID), lambda i: (0, 0)),
      pl.BlockSpec((2, HID), lambda i: (0, 0)),
      pl.BlockSpec((1, HID), lambda i: (0, 0)),
      pl.BlockSpec((1, HID), lambda i: (0, 0)),
  ]
  args = [w3c, ttit, Wt, btr, pos_table, type_table, nwr, nbr]
  aliases = {}
  if prev is not None:
    in_specs.append(pl.BlockSpec(memory_space=pl.ANY))
    args.append(prev)
    aliases = {8: 0}
  return pl.pallas_call(
      _tc_body,
      grid=(nsteps,),
      in_specs=in_specs,
      out_specs=pl.BlockSpec((NB, S, HID),
                             functools.partial(lambda g0, i: (g0 + i, 0, 0), g0)),
      out_shape=jax.ShapeDtypeStruct((B, S, HID), jnp.float32),
      input_output_aliases=aliases,
  )(*args)


def kernel(input_ids, token_type_ids, word_table, pos_table, type_table, Wt,
           bt, nn_weight, nn_bias):
  ids = input_ids.astype(jnp.int32)
  ttit = token_type_ids.astype(jnp.float32).T.reshape(S, B // NB, NB)
  ttit = ttit.transpose(1, 0, 2)
  btr = bt.reshape(1, HID)
  nwr = nn_weight.reshape(1, HID)
  nbr = nn_bias.reshape(1, HID)

  bounds = []
  b0 = 0
  for bc in SPLITS:
    bounds.append((b0, bc))
    b0 += bc
  assert b0 == B

  ws = [_sc_gather(word_table, ids, b0, bc) for b0, bc in bounds]

  out = None
  for (b0, bc), w3c in zip(bounds, ws):
    out = _tc_call(b0, bc, out, w3c, ttit, Wt, btr, pos_table, type_table,
                   nwr, nbr)
  return out

# --- scband reference (transcript-rebuilt; emitter-appended) ---
"""Pipeline reference for scband-mobile-bert-embedding-4681514352881 (READ-ONLY COPY).

The authoritative reference and input builder live on the scoring server;
editing this copy changes nothing except your own understanding.
"""

import jax, jax.numpy as jnp
import numpy as np

VOCAB = 100000
EMB = 128
HID = 512
MAXPOS = 512
TYPES = 2
B = 64
S = 512


def setup_inputs(seed: int = 0) -> dict:
    key = jax.random.key(seed)
    ks = jax.random.split(key, 8)
    input_ids = jax.random.randint(ks[0], (B, S), 0, VOCAB, dtype=jnp.int64 if jax.config.jax_enable_x64 else jnp.int32)
    token_type_ids = jax.random.randint(ks[1], (B, S), 0, TYPES, dtype=jnp.int64 if jax.config.jax_enable_x64 else jnp.int32)
    word_table = jax.random.normal(ks[2], (VOCAB, EMB), dtype=jnp.float32) * 0.02
    word_table = word_table.at[0].set(0.0)  # padding_idx=0 row zeroed
    pos_table = jax.random.normal(ks[3], (MAXPOS, HID), dtype=jnp.float32) * 0.02
    type_table = jax.random.normal(ks[4], (TYPES, HID), dtype=jnp.float32) * 0.02
    Wt = jax.random.normal(ks[5], (HID, 3 * EMB), dtype=jnp.float32) * 0.05
    bt = jax.random.normal(ks[6], (HID,), dtype=jnp.float32) * 0.01
    nn_weight = jnp.ones((HID,), dtype=jnp.float32)
    nn_bias = jnp.zeros((HID,), dtype=jnp.float32)
    return {
        'input_ids': input_ids,
        'token_type_ids': token_type_ids,
        'word_table': word_table,
        'pos_table': pos_table,
        'type_table': type_table,
        'Wt': Wt,
        'bt': bt,
        'nn_weight': nn_weight,
        'nn_bias': nn_bias,
    }


def reference(input_ids, token_type_ids, word_table, pos_table, type_table, Wt, bt, nn_weight, nn_bias):
    # word / position / type embedding lookups (gathers)
    w = jnp.take(word_table, input_ids, axis=0)              # [B, S, EMB]
    position_ids = jnp.arange(S)[None, :]                    # [1, S]
    p = jnp.take(pos_table, position_ids, axis=0)            # [1, S, HID]
    t = jnp.take(type_table, token_type_ids, axis=0)         # [B, S, HID]
    # MobileBERT trigram concatenation: [shift-left, self, shift-right]
    left = jnp.pad(w[:, 1:], ((0, 0), (0, 1), (0, 0)), constant_values=0.0)
    right = jnp.pad(w[:, :-1], ((0, 0), (1, 0), (0, 0)), constant_values=0.0)
    cat = jnp.concatenate([left, w, right], axis=2)          # [B, S, 3*EMB]
    # embedding transformation (linear)
    x = jnp.einsum('bsd,hd->bsh', cat, Wt) + bt              # [B, S, HID]
    emb = x + p + t
    # NoNorm (element-wise affine, dropout_rate=0.0 -> identity)
    return emb * nn_weight + nn_bias

if __name__ == "__main__":
    import jax
    _d = setup_inputs()
    print(jax.jit(kernel)(*tuple(_d.values())))

</pallas_src>

<mosaic_0001>
#map = affine_map<(d0, d1) -> (0, 0)>
#map1 = affine_map<(d0, d1) -> (0, 0, 0)>
module attributes {stable_mosaic.version = 14 : i64} {
  func.func @gather_kernel(%arg0: i32, %arg1: i32, %arg2: memref<100000x128xf32, #tpu.memory_space<hbm>>, %arg3: memref<64x512xi32, #tpu.memory_space<hbm>>, %arg4: memref<64x512x128xf32, #tpu.memory_space<hbm>>, %arg5: memref<1024xi32, #tpu.memory_space<vmem>>, %arg6: memref<2x128x128xf32, #tpu.memory_space<vmem>>, %arg7: memref<!tpu.dma_semaphore, #tpu.memory_space<semaphore_mem>>, %arg8: memref<!tpu.dma_semaphore, #tpu.memory_space<semaphore_mem>>, %arg9: memref<!tpu.dma_semaphore, #tpu.memory_space<semaphore_mem>>, %arg10: memref<!tpu.dma_semaphore, #tpu.memory_space<semaphore_mem>>) attributes {dimension_semantics = [#tpu.dimension_semantics<core_parallel>, #tpu.dimension_semantics<subcore_parallel>], iteration_bounds = array<i64: 2, 16>, scalar_prefetch = 0 : i64, scratch_operands = 6 : i64, tpu.core_type = #tpu.core_type<sc_vector_subcore>, window_params = [{transform_indices = #map}, {transform_indices = #map}, {transform_indices = #map1}]} {
    %mul3A = arith.constant 2 : i32
    %mul3A_0 = arith.muli %arg1, %mul3A : i32
    %add3A = arith.addi %mul3A_0, %arg0 : i32
    %mul3A_1 = arith.constant 1024 : i32
    %mul3A_2 = arith.muli %add3A, %mul3A_1 : i32
    %jit3A = arith.constant 512 : i32
    %div3A = arith.divsi %mul3A_2, %jit3A : i32
    %sign3A = arith.constant 0 : i32
    %sign3A_3 = arith.cmpi sgt, %mul3A_2, %sign3A : i32
    %sign3A_4 = arith.extui %sign3A_3 : i1 to i32
    %sign3A_5 = arith.constant 0 : i32
    %sign3A_6 = arith.cmpi slt, %mul3A_2, %sign3A_5 : i32
    %sign3A_7 = arith.extui %sign3A_6 : i1 to i32
    %sign3A_8 = arith.subi %sign3A_4, %sign3A_7 : i32
    %sign3A_9 = arith.constant 0 : i32
    %sign3A_10 = arith.cmpi sgt, %jit3A, %sign3A_9 : i32
    %sign3A_11 = arith.extui %sign3A_10 : i1 to i32
    %sign3A_12 = arith.constant 0 : i32
    %sign3A_13 = arith.cmpi slt, %jit3A, %sign3A_12 : i32
    %sign3A_14 = arith.extui %sign3A_13 : i1 to i32
    %sign3A_15 = arith.subi %sign3A_11, %sign3A_14 : i32
    %ne3A = arith.cmpi ne, %sign3A_8, %sign3A_15 : i32
    %rem3A = arith.remsi %mul3A_2, %jit3A : i32
    %ne3A_16 = arith.constant 0 : i32
    %ne3A_17 = arith.cmpi ne, %rem3A, %ne3A_16 : i32
    %and3A = arith.andi %ne3A, %ne3A_17 : i1
    %sub3A = arith.constant 1 : i32
    %sub3A_18 = arith.subi %div3A, %sub3A : i32
    %select_n3A = arith.select %and3A, %sub3A_18, %div3A : i32
    %min3A = arith.constant 62 : i32
    %min3A_19 = arith.minsi %select_n3A, %min3A : i32
    %mul3A_20 = arith.constant 512 : i32
    %mul3A_21 = arith.muli %min3A_19, %mul3A_20 : i32
    %sub3A_22 = arith.subi %mul3A_2, %mul3A_21 : i32
    %add3A_23 = arith.constant 0 : i32
    %add3A_24 = arith.addi %add3A_23, %min3A_19 : i32
    %add3A_25 = arith.constant 0 : i32
    %add3A_26 = arith.addi %add3A_24, %add3A_25 : i32
    %add3A_27 = arith.constant 0 : i32
    %add3A_28 = arith.addi %add3A_27, %min3A_19 : i32
    %add3A_29 = arith.constant 1 : i32
    %add3A_30 = arith.addi %add3A_28, %add3A_29 : i32
    %dma_start3A = arith.constant 0 : i32
    %dma_start3A_31 = tpu.memref_slice %arg5[%dma_start3A] : memref<1024xi32, #tpu.memory_space<vmem>> -> memref<512xi32, #tpu.memory_space<vmem>>
    %dma_start3A_32 = arith.constant 0 : i32
    %dma_start3A_33 = tpu.memref_slice %arg3[%add3A_26, %dma_start3A_32] : memref<64x512xi32, #tpu.memory_space<hbm>> -> memref<1x512xi32, #tpu.memory_space<hbm>>
    %dma_start3A_34 = tpu.memref_squeeze %dma_start3A_33 : memref<1x512xi32, #tpu.memory_space<hbm>> -> memref<512xi32, #tpu.memory_space<hbm>>
    %dma_start3A_35 = arith.constant 0 : i32
    %dma_start3A_36 = tpu.memref_slice %arg5[%dma_start3A_35] : memref<1024xi32, #tpu.memory_space<vmem>> -> memref<512xi32, #tpu.memory_space<vmem>>
    %dma_start3A_37 = arith.constant 0 : i32
    %dma_start3A_38 = tpu.memref_slice %arg3[%add3A_26, %dma_start3A_37] : memref<64x512xi32, #tpu.memory_space<hbm>> -> memref<1x512xi32, #tpu.memory_space<hbm>>
    %dma_start3A_39 = tpu.memref_squeeze %dma_start3A_38 : memref<1x512xi32, #tpu.memory_space<hbm>> -> memref<512xi32, #tpu.memory_space<hbm>>
    tpu.enqueue_dma source(%dma_start3A_39 : memref<512xi32, #tpu.memory_space<hbm>>) target(%dma_start3A_36 : memref<512xi32, #tpu.memory_space<vmem>>) target_semaphore(%arg7 : memref<!tpu.dma_semaphore, #tpu.memory_space<semaphore_mem>>)
    %dma_start3A_40 = arith.constant 512 : i32
    %dma_start3A_41 = tpu.memref_slice %arg5[%dma_start3A_40] : memref<1024xi32, #tpu.memory_space<vmem>> -> memref<512xi32, #tpu.memory_space<vmem>>
    %dma_start3A_42 = arith.constant 0 : i32
    %dma_start3A_43 = tpu.memref_slice %arg3[%add3A_30, %dma_start3A_42] : memref<64x512xi32, #tpu.memory_space<hbm>> -> memref<1x512xi32, #tpu.memory_space<hbm>>
    %dma_start3A_44 = tpu.memref_squeeze %dma_start3A_43 : memref<1x512xi32, #tpu.memory_space<hbm>> -> memref<512xi32, #tpu.memory_space<hbm>>
    %dma_start3A_45 = arith.constant 512 : i32
    %dma_start3A_46 = tpu.memref_slice %arg5[%dma_start3A_45] : memref<1024xi32, #tpu.memory_space<vmem>> -> memref<512xi32, #tpu.memory_space<vmem>>
    %dma_start3A_47 = arith.constant 0 : i32
    %dma_start3A_48 = tpu.memref_slice %arg3[%add3A_30, %dma_start3A_47] : memref<64x512xi32, #tpu.memory_space<hbm>> -> memref<1x512xi32, #tpu.memory_space<hbm>>
    %dma_start3A_49 = tpu.memref_squeeze %dma_start3A_48 : memref<1x512xi32, #tpu.memory_space<hbm>> -> memref<512xi32, #tpu.memory_space<hbm>>
    tpu.enqueue_dma source(%dma_start3A_49 : memref<512xi32, #tpu.memory_space<hbm>>) target(%dma_start3A_46 : memref<512xi32, #tpu.memory_space<vmem>>) target_semaphore(%arg7 : memref<!tpu.dma_semaphore, #tpu.memory_space<semaphore_mem>>)
    %dma_wait3A = arith.constant 0 : i32
    %dma_wait3A_50 = tpu.memref_slice %arg5[%dma_wait3A] : memref<1024xi32, #tpu.memory_space<vmem>> -> memref<512xi32, #tpu.memory_space<vmem>>
    %dma_wait3A_51 = arith.constant 0 : i32
    %dma_wait3A_52 = tpu.memref_slice %arg3[%add3A_26, %dma_wait3A_51] : memref<64x512xi32, #tpu.memory_space<hbm>> -> memref<1x512xi32, #tpu.memory_space<hbm>>
    %dma_wait3A_53 = tpu.memref_squeeze %dma_wait3A_52 : memref<1x512xi32, #tpu.memory_space<hbm>> -> memref<512xi32, #tpu.memory_space<hbm>>
    %dma_wait3A_54 = arith.constant 0 : i32
    %dma_wait3A_55 = tpu.memref_slice %arg5[%dma_wait3A_54] : memref<1024xi32, #tpu.memory_space<vmem>> -> memref<512xi32, #tpu.memory_space<vmem>>
    %dma_wait3A_56 = arith.constant 0 : i32
    %dma_wait3A_57 = tpu.memref_slice %arg3[%add3A_26, %dma_wait3A_56] : memref<64x512xi32, #tpu.memory_space<hbm>> -> memref<1x512xi32, #tpu.memory_space<hbm>>
    %dma_wait3A_58 = tpu.memref_squeeze %dma_wait3A_57 : memref<1x512xi32, #tpu.memory_space<hbm>> -> memref<512xi32, #tpu.memory_space<hbm>>
    tpu.wait_dma2 semaphore(%arg7 : memref<!tpu.dma_semaphore, #tpu.memory_space<semaphore_mem>>) src(%dma_wait3A_58 : memref<512xi32, #tpu.memory_space<hbm>>) dst(%dma_wait3A_55 : memref<512xi32, #tpu.memory_space<vmem>>)
    %dma_wait3A_59 = arith.constant 512 : i32
    %dma_wait3A_60 = tpu.memref_slice %arg5[%dma_wait3A_59] : memref<1024xi32, #tpu.memory_space<vmem>> -> memref<512xi32, #tpu.memory_space<vmem>>
    %dma_wait3A_61 = arith.constant 0 : i32
    %dma_wait3A_62 = tpu.memref_slice %arg3[%add3A_30, %dma_wait3A_61] : memref<64x512xi32, #tpu.memory_space<hbm>> -> memref<1x512xi32, #tpu.memory_space<hbm>>
    %dma_wait3A_63 = tpu.memref_squeeze %dma_wait3A_62 : memref<1x512xi32, #tpu.memory_space<hbm>> -> memref<512xi32, #tpu.memory_space<hbm>>
    %dma_wait3A_64 = arith.constant 512 : i32
    %dma_wait3A_65 = tpu.memref_slice %arg5[%dma_wait3A_64] : memref<1024xi32, #tpu.memory_space<vmem>> -> memref<512xi32, #tpu.memory_space<vmem>>
    %dma_wait3A_66 = arith.constant 0 : i32
    %dma_wait3A_67 = tpu.memref_slice %arg3[%add3A_30, %dma_wait3A_66] : memref<64x512xi32, #tpu.memory_space<hbm>> -> memref<1x512xi32, #tpu.memory_space<hbm>>
    %dma_wait3A_68 = tpu.memref_squeeze %dma_wait3A_67 : memref<1x512xi32, #tpu.memory_space<hbm>> -> memref<512xi32, #tpu.memory_space<hbm>>
    tpu.wait_dma2 semaphore(%arg7 : memref<!tpu.dma_semaphore, #tpu.memory_space<semaphore_mem>>) src(%dma_wait3A_68 : memref<512xi32, #tpu.memory_space<hbm>>) dst(%dma_wait3A_65 : memref<512xi32, #tpu.memory_space<vmem>>)
    %add3A_69 = arith.constant 0 : i32
    %add3A_70 = arith.addi %sub3A_22, %add3A_69 : i32
    %dma_start3A_71 = arith.constant 0 : i32
    %dma_start3A_72 = arith.constant 0 : i32
    %dma_start3A_73 = arith.constant 0 : i32
    %dma_start3A_74 = tpu.memref_slice %arg6[%dma_start3A_71, %dma_start3A_72, %dma_start3A_73] : memref<2x128x128xf32, #tpu.memory_space<vmem>> -> memref<1x128x128xf32, #tpu.memory_space<vmem>>
    %dma_start3A_75 = tpu.memref_squeeze %dma_start3A_74 : memref<1x128x128xf32, #tpu.memory_space<vmem>> -> memref<128x128xf32, #tpu.memory_space<vmem>>
    %dma_start3A_76 = tpu.memref_slice %arg5[%add3A_70] : memref<1024xi32, #tpu.memory_space<vmem>> -> memref<128xi32, #tpu.memory_space<vmem>>
    %dma_start3A_77 = arith.constant 0 : i32
    %dma_start3A_78 = arith.constant 0 : i32
    %dma_start3A_79 = tpu.memref_slice %arg2[%dma_start3A_77, %dma_start3A_78] : memref<100000x128xf32, #tpu.memory_space<hbm>> -> memref<100000x128xf32, #tpu.memory_space<hbm>>
    tpu.enqueue_indirect_dma source(%dma_start3A_79 : memref<100000x128xf32, #tpu.memory_space<hbm>>) target(%dma_start3A_75 : memref<128x128xf32, #tpu.memory_space<vmem>>) offsets(%dma_start3A_76 : memref<128xi32, #tpu.memory_space<vmem>>) semaphore(%arg8 : memref<!tpu.dma_semaphore, #tpu.memory_space<semaphore_mem>>)
    %dma_wait3A_80 = arith.constant 0 : i32
    %dma_wait3A_81 = arith.constant 0 : i32
    %dma_wait3A_82 = arith.constant 0 : i32
    %dma_wait3A_83 = tpu.memref_slice %arg6[%dma_wait3A_80, %dma_wait3A_81, %dma_wait3A_82] : memref<2x128x128xf32, #tpu.memory_space<vmem>> -> memref<1x128x128xf32, #tpu.memory_space<vmem>>
    %dma_wait3A_84 = tpu.memref_squeeze %dma_wait3A_83 : memref<1x128x128xf32, #tpu.memory_space<vmem>> -> memref<128x128xf32, #tpu.memory_space<vmem>>
    %dma_wait3A_85 = tpu.memref_slice %arg5[%add3A_70] : memref<1024xi32, #tpu.memory_space<vmem>> -> memref<128xi32, #tpu.memory_space<vmem>>
    %dma_wait3A_86 = arith.constant 0 : i32
    %dma_wait3A_87 = arith.constant 0 : i32
    %dma_wait3A_88 = tpu.memref_slice %arg2[%dma_wait3A_86, %dma_wait3A_87] : memref<100000x128xf32, #tpu.memory_space<hbm>> -> memref<100000x128xf32, #tpu.memory_space<hbm>>
    tpu.wait_indirect_dma semaphore(%arg8 : memref<!tpu.dma_semaphore, #tpu.memory_space<semaphore_mem>>) src(%dma_wait3A_88 : memref<100000x128xf32, #tpu.memory_space<hbm>>) dst(%dma_wait3A_84 : memref<128x128xf32, #tpu.memory_space<vmem>>)
    %add3A_89 = arith.constant 128 : i32
    %add3A_90 = arith.addi %sub3A_22, %add3A_89 : i32
    %dma_start3A_91 = arith.constant 1 : i32
    %dma_start3A_92 = arith.constant 0 : i32
    %dma_start3A_93 = arith.constant 0 : i32
    %dma_start3A_94 = tpu.memref_slice %arg6[%dma_start3A_91, %dma_start3A_92, %dma_start3A_93] : memref<2x128x128xf32, #tpu.memory_space<vmem>> -> memref<1x128x128xf32, #tpu.memory_space<vmem>>
    %dma_start3A_95 = tpu.memref_squeeze %dma_start3A_94 : memref<1x128x128xf32, #tpu.memory_space<vmem>> -> memref<128x128xf32, #tpu.memory_space<vmem>>
    %dma_start3A_96 = tpu.memref_slice %arg5[%add3A_90] : memref<1024xi32, #tpu.memory_space<vmem>> -> memref<128xi32, #tpu.memory_space<vmem>>
    %dma_start3A_97 = arith.constant 0 : i32
    %dma_start3A_98 = arith.constant 0 : i32
    %dma_start3A_99 = tpu.memref_slice %arg2[%dma_start3A_97, %dma_start3A_98] : memref<100000x128xf32, #tpu.memory_space<hbm>> -> memref<100000x128xf32, #tpu.memory_space<hbm>>
    tpu.enqueue_indirect_dma source(%dma_start3A_99 : memref<100000x128xf32, #tpu.memory_space<hbm>>) target(%dma_start3A_95 : memref<128x128xf32, #tpu.memory_space<vmem>>) offsets(%dma_start3A_96 : memref<128xi32, #tpu.memory_space<vmem>>) semaphore(%arg8 : memref<!tpu.dma_semaphore, #tpu.memory_space<semaphore_mem>>)
    %add3A_100 = arith.constant 0 : i32
    %add3A_101 = arith.addi %mul3A_2, %add3A_100 : i32
    %jit3A_102 = arith.constant 512 : i32
    %div3A_103 = arith.divsi %add3A_101, %jit3A_102 : i32
    %sign3A_104 = arith.constant 0 : i32
    %sign3A_105 = arith.cmpi sgt, %add3A_101, %sign3A_104 : i32
    %sign3A_106 = arith.extui %sign3A_105 : i1 to i32
    %sign3A_107 = arith.constant 0 : i32
    %sign3A_108 = arith.cmpi slt, %add3A_101, %sign3A_107 : i32
    %sign3A_109 = arith.extui %sign3A_108 : i1 to i32
    %sign3A_110 = arith.subi %sign3A_106, %sign3A_109 : i32
    %sign3A_111 = arith.constant 0 : i32
    %sign3A_112 = arith.cmpi sgt, %jit3A_102, %sign3A_111 : i32
    %sign3A_113 = arith.extui %sign3A_112 : i1 to i32
    %sign3A_114 = arith.constant 0 : i32
    %sign3A_115 = arith.cmpi slt, %jit3A_102, %sign3A_114 : i32
    %sign3A_116 = arith.extui %sign3A_115 : i1 to i32
    %sign3A_117 = arith.subi %sign3A_113, %sign3A_116 : i32
    %ne3A_118 = arith.cmpi ne, %sign3A_110, %sign3A_117 : i32
    %rem3A_119 = arith.remsi %add3A_101, %jit3A_102 : i32
    %ne3A_120 = arith.constant 0 : i32
    %ne3A_121 = arith.cmpi ne, %rem3A_119, %ne3A_120 : i32
    %and3A_122 = arith.andi %ne3A_118, %ne3A_121 : i1
    %sub3A_123 = arith.constant 1 : i32
    %sub3A_124 = arith.subi %div3A_103, %sub3A_123 : i32
    %select_n3A_125 = arith.select %and3A_122, %sub3A_124, %div3A_103 : i32
    %jit3A_126 = arith.constant 512 : i32
    %eq3A = arith.constant 0 : i32
    %eq3A_127 = arith.cmpi eq, %jit3A_126, %eq3A : i32
    %jit3A_128 = arith.constant 1 : i32
    %select_n3A_129 = arith.select %eq3A_127, %jit3A_128, %jit3A_126 : i32
    %rem3A_130 = arith.remsi %add3A_101, %select_n3A_129 : i32
    %ne3A_131 = arith.constant 0 : i32
    %ne3A_132 = arith.cmpi ne, %rem3A_130, %ne3A_131 : i32
    %lt3A = arith.constant 0 : i32
    %lt3A_133 = arith.cmpi slt, %rem3A_130, %lt3A : i32
    %lt3A_134 = arith.constant 0 : i32
    %lt3A_135 = arith.cmpi slt, %select_n3A_129, %lt3A_134 : i32
    %ne3A_136 = arith.xori %lt3A_133, %lt3A_135 : i1
    %and3A_137 = arith.andi %ne3A_136, %ne3A_132 : i1
    %add3A_138 = arith.addi %rem3A_130, %select_n3A_129 : i32
    %select_n3A_139 = arith.select %and3A_137, %add3A_138, %rem3A_130 : i32
    %dma_start3A_140 = arith.constant 0 : i32
    %dma_start3A_141 = arith.constant 0 : i32
    %dma_start3A_142 = arith.constant 0 : i32
    %dma_start3A_143 = tpu.memref_slice %arg6[%dma_start3A_140, %dma_start3A_141, %dma_start3A_142] : memref<2x128x128xf32, #tpu.memory_space<vmem>> -> memref<1x128x128xf32, #tpu.memory_space<vmem>>
    %dma_start3A_144 = tpu.memref_squeeze %dma_start3A_143 : memref<1x128x128xf32, #tpu.memory_space<vmem>> -> memref<128x128xf32, #tpu.memory_space<vmem>>
    %dma_start3A_145 = arith.constant 0 : i32
    %dma_start3A_146 = tpu.memref_slice %arg4[%select_n3A_125, %select_n3A_139, %dma_start3A_145] : memref<64x512x128xf32, #tpu.memory_space<hbm>> -> memref<1x128x128xf32, #tpu.memory_space<hbm>>
    %dma_start3A_147 = tpu.memref_squeeze %dma_start3A_146 : memref<1x128x128xf32, #tpu.memory_space<hbm>> -> memref<128x128xf32, #tpu.memory_space<hbm>>
    %dma_start3A_148 = arith.constant 0 : i32
    %dma_start3A_149 = tpu.memref_slice %arg4[%select_n3A_125, %select_n3A_139, %dma_start3A_148] : memref<64x512x128xf32, #tpu.memory_space<hbm>> -> memref<1x128x128xf32, #tpu.memory_space<hbm>>
    %dma_start3A_150 = tpu.memref_squeeze %dma_start3A_149 : memref<1x128x128xf32, #tpu.memory_space<hbm>> -> memref<128x128xf32, #tpu.memory_space<hbm>>
    %dma_start3A_151 = arith.constant 0 : i32
    %dma_start3A_152 = arith.constant 0 : i32
    %dma_start3A_153 = tpu.memref_slice %arg6[%dma_start3A_140, %dma_start3A_151, %dma_start3A_152] : memref<2x128x128xf32, #tpu.memory_space<vmem>> -> memref<1x128x128xf32, #tpu.memory_space<vmem>>
    %dma_start3A_154 = tpu.memref_squeeze %dma_start3A_153 : memref<1x128x128xf32, #tpu.memory_space<vmem>> -> memref<128x128xf32, #tpu.memory_space<vmem>>
    tpu.enqueue_dma source(%dma_start3A_154 : memref<128x128xf32, #tpu.memory_space<vmem>>) target(%dma_start3A_150 : memref<128x128xf32, #tpu.memory_space<hbm>>) target_semaphore(%arg9 : memref<!tpu.dma_semaphore, #tpu.memory_space<semaphore_mem>>)
    %dma_wait3A_155 = arith.constant 1 : i32
    %dma_wait3A_156 = arith.constant 0 : i32
    %dma_wait3A_157 = arith.constant 0 : i32
    %dma_wait3A_158 = tpu.memref_slice %arg6[%dma_wait3A_155, %dma_wait3A_156, %dma_wait3A_157] : memref<2x128x128xf32, #tpu.memory_space<vmem>> -> memref<1x128x128xf32, #tpu.memory_space<vmem>>
    %dma_wait3A_159 = tpu.memref_squeeze %dma_wait3A_158 : memref<1x128x128xf32, #tpu.memory_space<vmem>> -> memref<128x128xf32, #tpu.memory_space<vmem>>
    %dma_wait3A_160 = tpu.memref_slice %arg5[%add3A_90] : memref<1024xi32, #tpu.memory_space<vmem>> -> memref<128xi32, #tpu.memory_space<vmem>>
    %dma_wait3A_161 = arith.constant 0 : i32
    %dma_wait3A_162 = arith.constant 0 : i32
    %dma_wait3A_163 = tpu.memref_slice %arg2[%dma_wait3A_161, %dma_wait3A_162] : memref<100000x128xf32, #tpu.memory_space<hbm>> -> memref<100000x128xf32, #tpu.memory_space<hbm>>
    tpu.wait_indirect_dma semaphore(%arg8 : memref<!tpu.dma_semaphore, #tpu.memory_space<semaphore_mem>>) src(%dma_wait3A_163 : memref<100000x128xf32, #tpu.memory_space<hbm>>) dst(%dma_wait3A_159 : memref<128x128xf32, #tpu.memory_space<vmem>>)
    %dma_wait3A_164 = arith.constant 0 : i32
    %dma_wait3A_165 = arith.constant 0 : i32
    %dma_wait3A_166 = arith.constant 0 : i32
    %dma_wait3A_167 = tpu.memref_slice %arg6[%dma_wait3A_164, %dma_wait3A_165, %dma_wait3A_166] : memref<2x128x128xf32, #tpu.memory_space<vmem>> -> memref<1x128x128xf32, #tpu.memory_space<vmem>>
    %dma_wait3A_168 = tpu.memref_squeeze %dma_wait3A_167 : memref<1x128x128xf32, #tpu.memory_space<vmem>> -> memref<128x128xf32, #tpu.memory_space<vmem>>
    %dma_wait3A_169 = arith.constant 0 : i32
    %dma_wait3A_170 = tpu.memref_slice %arg4[%select_n3A_125, %select_n3A_139, %dma_wait3A_169] : memref<64x512x128xf32, #tpu.memory_space<hbm>> -> memref<1x128x128xf32, #tpu.memory_space<hbm>>
    %dma_wait3A_171 = tpu.memref_squeeze %dma_wait3A_170 : memref<1x128x128xf32, #tpu.memory_space<hbm>> -> memref<128x128xf32, #tpu.memory_space<hbm>>
    %dma_wait3A_172 = arith.constant 0 : i32
    %dma_wait3A_173 = tpu.memref_slice %arg4[%select_n3A_125, %select_n3A_139, %dma_wait3A_172] : memref<64x512x128xf32, #tpu.memory_space<hbm>> -> memref<1x128x128xf32, #tpu.memory_space<hbm>>
    %dma_wait3A_174 = tpu.memref_squeeze %dma_wait3A_173 : memref<1x128x128xf32, #tpu.memory_space<hbm>> -> memref<128x128xf32, #tpu.memory_space<hbm>>
    %dma_wait3A_175 = arith.constant 0 : i32
    %dma_wait3A_176 = arith.constant 0 : i32
    %dma_wait3A_177 = tpu.memref_slice %arg6[%dma_wait3A_164, %dma_wait3A_175, %dma_wait3A_176] : memref<2x128x128xf32, #tpu.memory_space<vmem>> -> memref<1x128x128xf32, #tpu.memory_space<vmem>>
    %dma_wait3A_178 = tpu.memref_squeeze %dma_wait3A_177 : memref<1x128x128xf32, #tpu.memory_space<vmem>> -> memref<128x128xf32, #tpu.memory_space<vmem>>
    tpu.wait_dma2 semaphore(%arg9 : memref<!tpu.dma_semaphore, #tpu.memory_space<semaphore_mem>>) src(%dma_wait3A_178 : memref<128x128xf32, #tpu.memory_space<vmem>>) dst(%dma_wait3A_174 : memref<128x128xf32, #tpu.memory_space<hbm>>)
    %add3A_179 = arith.constant 256 : i32
    %add3A_180 = arith.addi %sub3A_22, %add3A_179 : i32
    %dma_start3A_181 = arith.constant 0 : i32
    %dma_start3A_182 = arith.constant 0 : i32
    %dma_start3A_183 = arith.constant 0 : i32
    %dma_start3A_184 = tpu.memref_slice %arg6[%dma_start3A_181, %dma_start3A_182, %dma_start3A_183] : memref<2x128x128xf32, #tpu.memory_space<vmem>> -> memref<1x128x128xf32, #tpu.memory_space<vmem>>
    %dma_start3A_185 = tpu.memref_squeeze %dma_start3A_184 : memref<1x128x128xf32, #tpu.memory_space<vmem>> -> memref<128x128xf32, #tpu.memory_space<vmem>>
    %dma_start3A_186 = tpu.memref_slice %arg5[%add3A_180] : memref<1024xi32, #tpu.memory_space<vmem>> -> memref<128xi32, #tpu.memory_space<vmem>>
    %dma_start3A_187 = arith.constant 0 : i32
    %dma_start3A_188 = arith.constant 0 : i32
    %dma_start3A_189 = tpu.memref_slice %arg2[%dma_start3A_187, %dma_start3A_188] : memref<100000x128xf32, #tpu.memory_space<hbm>> -> memref<100000x128xf32, #tpu.memory_space<hbm>>
    tpu.enqueue_indirect_dma source(%dma_start3A_189 : memref<100000x128xf32, #tpu.memory_space<hbm>>) target(%dma_start3A_185 : memref<128x128xf32, #tpu.memory_space<vmem>>) offsets(%dma_start3A_186 : memref<128xi32, #tpu.memory_space<vmem>>) semaphore(%arg8 : memref<!tpu.dma_semaphore, #tpu.memory_space<semaphore_mem>>)
    %add3A_190 = arith.constant 128 : i32
    %add3A_191 = arith.addi %mul3A_2, %add3A_190 : i32
    %jit3A_192 = arith.constant 512 : i32
    %div3A_193 = arith.divsi %add3A_191, %jit3A_192 : i32
    %sign3A_194 = arith.constant 0 : i32
    %sign3A_195 = arith.cmpi sgt, %add3A_191, %sign3A_194 : i32
    %sign3A_196 = arith.extui %sign3A_195 : i1 to i32
    %sign3A_197 = arith.constant 0 : i32
    %sign3A_198 = arith.cmpi slt, %add3A_191, %sign3A_197 : i32
    %sign3A_199 = arith.extui %sign3A_198 : i1 to i32
    %sign3A_200 = arith.subi %sign3A_196, %sign3A_199 : i32
    %sign3A_201 = arith.constant 0 : i32
    %sign3A_202 = arith.cmpi sgt, %jit3A_192, %sign3A_201 : i32
    %sign3A_203 = arith.extui %sign3A_202 : i1 to i32
    %sign3A_204 = arith.constant 0 : i32
    %sign3A_205 = arith.cmpi slt, %jit3A_192, %sign3A_204 : i32
    %sign3A_206 = arith.extui %sign3A_205 : i1 to i32
    %sign3A_207 = arith.subi %sign3A_203, %sign3A_206 : i32
    %ne3A_208 = arith.cmpi ne, %sign3A_200, %sign3A_207 : i32
    %rem3A_209 = arith.remsi %add3A_191, %jit3A_192 : i32
    %ne3A_210 = arith.constant 0 : i32
    %ne3A_211 = arith.cmpi ne, %rem3A_209, %ne3A_210 : i32
    %and3A_212 = arith.andi %ne3A_208, %ne3A_211 : i1
    %sub3A_213 = arith.constant 1 : i32
    %sub3A_214 = arith.subi %div3A_193, %sub3A_213 : i32
    %select_n3A_215 = arith.select %and3A_212, %sub3A_214, %div3A_193 : i32
    %jit3A_216 = arith.constant 512 : i32
    %eq3A_217 = arith.constant 0 : i32
    %eq3A_218 = arith.cmpi eq, %jit3A_216, %eq3A_217 : i32
    %jit3A_219 = arith.constant 1 : i32
    %select_n3A_220 = arith.select %eq3A_218, %jit3A_219, %jit3A_216 : i32
    %rem3A_221 = arith.remsi %add3A_191, %select_n3A_220 : i32
    %ne3A_222 = arith.constant 0 : i32
    %ne3A_223 = arith.cmpi ne, %rem3A_221, %ne3A_222 : i32
    %lt3A_224 = arith.constant 0 : i32
    %lt3A_225 = arith.cmpi slt, %rem3A_221, %lt3A_224 : i32
    %lt3A_226 = arith.constant 0 : i32
    %lt3A_227 = arith.cmpi slt, %select_n3A_220, %lt3A_226 : i32
    %ne3A_228 = arith.xori %lt3A_225, %lt3A_227 : i1
    %and3A_229 = arith.andi %ne3A_228, %ne3A_223 : i1
    %add3A_230 = arith.addi %rem3A_221, %select_n3A_220 : i32
    %select_n3A_231 = arith.select %and3A_229, %add3A_230, %rem3A_221 : i32
    %dma_start3A_232 = arith.constant 1 : i32
    %dma_start3A_233 = arith.constant 0 : i32
    %dma_start3A_234 = arith.constant 0 : i32
    %dma_start3A_235 = tpu.memref_slice %arg6[%dma_start3A_232, %dma_start3A_233, %dma_start3A_234] : memref<2x128x128xf32, #tpu.memory_space<vmem>> -> memref<1x128x128xf32, #tpu.memory_space<vmem>>
    %dma_start3A_236 = tpu.memref_squeeze %dma_start3A_235 : memref<1x128x128xf32, #tpu.memory_space<vmem>> -> memref<128x128xf32, #tpu.memory_space<vmem>>
    %dma_start3A_237 = arith.constant 0 : i32
    %dma_start3A_238 = tpu.memref_slice %arg4[%select_n3A_215, %select_n3A_231, %dma_start3A_237] : memref<64x512x128xf32, #tpu.memory_space<hbm>> -> memref<1x128x128xf32, #tpu.memory_space<hbm>>
    %dma_start3A_239 = tpu.memref_squeeze %dma_start3A_238 : memref<1x128x128xf32, #tpu.memory_space<hbm>> -> memref<128x128xf32, #tpu.memory_space<hbm>>
    %dma_start3A_240 = arith.constant 0 : i32
    %dma_start3A_241 = tpu.memref_slice %arg4[%select_n3A_215, %select_n3A_231, %dma_start3A_240] : memref<64x512x128xf32, #tpu.memory_space<hbm>> -> memref<1x128x128xf32, #tpu.memory_space<hbm>>
    %dma_start3A_242 = tpu.memref_squeeze %dma_start3A_241 : memref<1x128x128xf32, #tpu.memory_space<hbm>> -> memref<128x128xf32, #tpu.memory_space<hbm>>
    %dma_start3A_243 = arith.constant 0 : i32
    %dma_start3A_244 = arith.constant 0 : i32
    %dma_start3A_245 = tpu.memref_slice %arg6[%dma_start3A_232, %dma_start3A_243, %dma_start3A_244] : memref<2x128x128xf32, #tpu.memory_space<vmem>> -> memref<1x128x128xf32, #tpu.memory_space<vmem>>
    %dma_start3A_246 = tpu.memref_squeeze %dma_start3A_245 : memref<1x128x128xf32, #tpu.memory_space<vmem>> -> memref<128x128xf32, #tpu.memory_space<vmem>>
    tpu.enqueue_dma source(%dma_start3A_246 : memref<128x128xf32, #tpu.memory_space<vmem>>) target(%dma_start3A_242 : memref<128x128xf32, #tpu.memory_space<hbm>>) target_semaphore(%arg10 : memref<!tpu.dma_semaphore, #tpu.memory_space<semaphore_mem>>)
    %dma_wait3A_247 = arith.constant 0 : i32
    %dma_wait3A_248 = arith.constant 0 : i32
    %dma_wait3A_249 = arith.constant 0 : i32
    %dma_wait3A_250 = tpu.memref_slice %arg6[%dma_wait3A_247, %dma_wait3A_248, %dma_wait3A_249] : memref<2x128x128xf32, #tpu.memory_space<vmem>> -> memref<1x128x128xf32, #tpu.memory_space<vmem>>
    %dma_wait3A_251 = tpu.memref_squeeze %dma_wait3A_250 : memref<1x128x128xf32, #tpu.memory_space<vmem>> -> memref<128x128xf32, #tpu.memory_space<vmem>>
    %dma_wait3A_252 = tpu.memref_slice %arg5[%add3A_180] : memref<1024xi32, #tpu.memory_space<vmem>> -> memref<128xi32, #tpu.memory_space<vmem>>
    %dma_wait3A_253 = arith.constant 0 : i32
    %dma_wait3A_254 = arith.constant 0 : i32
    %dma_wait3A_255 = tpu.memref_slice %arg2[%dma_wait3A_253, %dma_wait3A_254] : memref<100000x128xf32, #tpu.memory_space<hbm>> -> memref<100000x128xf32, #tpu.memory_space<hbm>>
    tpu.wait_indirect_dma semaphore(%arg8 : memref<!tpu.dma_semaphore, #tpu.memory_space<semaphore_mem>>) src(%dma_wait3A_255 : memref<100000x128xf32, #tpu.memory_space<hbm>>) dst(%dma_wait3A_251 : memref<128x128xf32, #tpu.memory_space<vmem>>)
    %dma_wait3A_256 = arith.constant 1 : i32
    %dma_wait3A_257 = arith.constant 0 : i32
    %dma_wait3A_258 = arith.constant 0 : i32
    %dma_wait3A_259 = tpu.memref_slice %arg6[%dma_wait3A_256, %dma_wait3A_257, %dma_wait3A_258] : memref<2x128x128xf32, #tpu.memory_space<vmem>> -> memref<1x128x128xf32, #tpu.memory_space<vmem>>
    %dma_wait3A_260 = tpu.memref_squeeze %dma_wait3A_259 : memref<1x128x128xf32, #tpu.memory_space<vmem>> -> memref<128x128xf32, #tpu.memory_space<vmem>>
    %dma_wait3A_261 = arith.constant 0 : i32
    %dma_wait3A_262 = tpu.memref_slice %arg4[%select_n3A_215, %select_n3A_231, %dma_wait3A_261] : memref<64x512x128xf32, #tpu.memory_space<hbm>> -> memref<1x128x128xf32, #tpu.memory_space<hbm>>
    %dma_wait3A_263 = tpu.memref_squeeze %dma_wait3A_262 : memref<1x128x128xf32, #tpu.memory_space<hbm>> -> memref<128x128xf32, #tpu.memory_space<hbm>>
    %dma_wait3A_264 = arith.constant 0 : i32
    %dma_wait3A_265 = tpu.memref_slice %arg4[%select_n3A_215, %select_n3A_231, %dma_wait3A_264] : memref<64x512x128xf32, #tpu.memory_space<hbm>> -> memref<1x128x128xf32, #tpu.memory_space<hbm>>
    %dma_wait3A_266 = tpu.memref_squeeze %dma_wait3A_265 : memref<1x128x128xf32, #tpu.memory_space<hbm>> -> memref<128x128xf32, #tpu.memory_space<hbm>>
    %dma_wait3A_267 = arith.constant 0 : i32
    %dma_wait3A_268 = arith.constant 0 : i32
    %dma_wait3A_269 = tpu.memref_slice %arg6[%dma_wait3A_256, %dma_wait3A_267, %dma_wait3A_268] : memref<2x128x128xf32, #tpu.memory_space<vmem>> -> memref<1x128x128xf32, #tpu.memory_space<vmem>>
    %dma_wait3A_270 = tpu.memref_squeeze %dma_wait3A_269 : memref<1x128x128xf32, #tpu.memory_space<vmem>> -> memref<128x128xf32, #tpu.memory_space<vmem>>
    tpu.wait_dma2 semaphore(%arg10 : memref<!tpu.dma_semaphore, #tpu.memory_space<semaphore_mem>>) src(%dma_wait3A_270 : memref<128x128xf32, #tpu.memory_space<vmem>>) dst(%dma_wait3A_266 : memref<128x128xf32, #tpu.memory_space<hbm>>)
    %add3A_271 = arith.constant 384 : i32
    %add3A_272 = arith.addi %sub3A_22, %add3A_271 : i32
    %dma_start3A_273 = arith.constant 1 : i32
    %dma_start3A_274 = arith.constant 0 : i32
    %dma_start3A_275 = arith.constant 0 : i32
    %dma_start3A_276 = tpu.memref_slice %arg6[%dma_start3A_273, %dma_start3A_274, %dma_start3A_275] : memref<2x128x128xf32, #tpu.memory_space<vmem>> -> memref<1x128x128xf32, #tpu.memory_space<vmem>>
    %dma_start3A_277 = tpu.memref_squeeze %dma_start3A_276 : memref<1x128x128xf32, #tpu.memory_space<vmem>> -> memref<128x128xf32, #tpu.memory_space<vmem>>
    %dma_start3A_278 = tpu.memref_slice %arg5[%add3A_272] : memref<1024xi32, #tpu.memory_space<vmem>> -> memref<128xi32, #tpu.memory_space<vmem>>
    %dma_start3A_279 = arith.constant 0 : i32
    %dma_start3A_280 = arith.constant 0 : i32
    %dma_start3A_281 = tpu.memref_slice %arg2[%dma_start3A_279, %dma_start3A_280] : memref<100000x128xf32, #tpu.memory_space<hbm>> -> memref<100000x128xf32, #tpu.memory_space<hbm>>
    tpu.enqueue_indirect_dma source(%dma_start3A_281 : memref<100000x128xf32, #tpu.memory_space<hbm>>) target(%dma_start3A_277 : memref<128x128xf32, #tpu.memory_space<vmem>>) offsets(%dma_start3A_278 : memref<128xi32, #tpu.memory_space<vmem>>) semaphore(%arg8 : memref<!tpu.dma_semaphore, #tpu.memory_space<semaphore_mem>>)
    %add3A_282 = arith.constant 256 : i32
    %add3A_283 = arith.addi %mul3A_2, %add3A_282 : i32
    %jit3A_284 = arith.constant 512 : i32
    %div3A_285 = arith.divsi %add3A_283, %jit3A_284 : i32
    %sign3A_286 = arith.constant 0 : i32
    %sign3A_287 = arith.cmpi sgt, %add3A_283, %sign3A_286 : i32
    %sign3A_288 = arith.extui %sign3A_287 : i1 to i32
    %sign3A_289 = arith.constant 0 : i32
    %sign3A_290 = arith.cmpi slt, %add3A_283, %sign3A_289 : i32
    %sign3A_291 = arith.extui %sign3A_290 : i1 to i32
    %sign3A_292 = arith.subi %sign3A_288, %sign3A_291 : i32
    %sign3A_293 = arith.constant 0 : i32
    %sign3A_294 = arith.cmpi sgt, %jit3A_284, %sign3A_293 : i32
    %sign3A_295 = arith.extui %sign3A_294 : i1 to i32
    %sign3A_296 = arith.constant 0 : i32
    %sign3A_297 = arith.cmpi slt, %jit3A_284, %sign3A_296 : i32
    %sign3A_298 = arith.extui %sign3A_297 : i1 to i32
    %sign3A_299 = arith.subi %sign3A_295, %sign3A_298 : i32
    %ne3A_300 = arith.cmpi ne, %sign3A_292, %sign3A_299 : i32
    %rem3A_301 = arith.remsi %add3A_283, %jit3A_284 : i32
    %ne3A_302 = arith.constant 0 : i32
    %ne3A_303 = arith.cmpi ne, %rem3A_301, %ne3A_302 : i32
    %and3A_304 = arith.andi %ne3A_300, %ne3A_303 : i1
    %sub3A_305 = arith.constant 1 : i32
    %sub3A_306 = arith.subi %div3A_285, %sub3A_305 : i32
    %select_n3A_307 = arith.select %and3A_304, %sub3A_306, %div3A_285 : i32
    %jit3A_308 = arith.constant 512 : i32
    %eq3A_309 = arith.constant 0 : i32
    %eq3A_310 = arith.cmpi eq, %jit3A_308, %eq3A_309 : i32
    %jit3A_311 = arith.constant 1 : i32
    %select_n3A_312 = arith.select %eq3A_310, %jit3A_311, %jit3A_308 : i32
    %rem3A_313 = arith.remsi %add3A_283, %select_n3A_312 : i32
    %ne3A_314 = arith.constant 0 : i32
    %ne3A_315 = arith.cmpi ne, %rem3A_313, %ne3A_314 : i32
    %lt3A_316 = arith.constant 0 : i32
    %lt3A_317 = arith.cmpi slt, %rem3A_313, %lt3A_316 : i32
    %lt3A_318 = arith.constant 0 : i32
    %lt3A_319 = arith.cmpi slt, %select_n3A_312, %lt3A_318 : i32
    %ne3A_320 = arith.xori %lt3A_317, %lt3A_319 : i1
    %and3A_321 = arith.andi %ne3A_320, %ne3A_315 : i1
    %add3A_322 = arith.addi %rem3A_313, %select_n3A_312 : i32
    %select_n3A_323 = arith.select %and3A_321, %add3A_322, %rem3A_313 : i32
    %dma_start3A_324 = arith.constant 0 : i32
    %dma_start3A_325 = arith.constant 0 : i32
    %dma_start3A_326 = arith.constant 0 : i32
    %dma_start3A_327 = tpu.memref_slice %arg6[%dma_start3A_324, %dma_start3A_325, %dma_start3A_326] : memref<2x128x128xf32, #tpu.memory_space<vmem>> -> memref<1x128x128xf32, #tpu.memory_space<vmem>>
    %dma_start3A_328 = tpu.memref_squeeze %dma_start3A_327 : memref<1x128x128xf32, #tpu.memory_space<vmem>> -> memref<128x128xf32, #tpu.memory_space<vmem>>
    %dma_start3A_329 = arith.constant 0 : i32
    %dma_start3A_330 = tpu.memref_slice %arg4[%select_n3A_307, %select_n3A_323, %dma_start3A_329] : memref<64x512x128xf32, #tpu.memory_space<hbm>> -> memref<1x128x128xf32, #tpu.memory_space<hbm>>
    %dma_start3A_331 = tpu.memref_squeeze %dma_start3A_330 : memref<1x128x128xf32, #tpu.memory_space<hbm>> -> memref<128x128xf32, #tpu.memory_space<hbm>>
    %dma_start3A_332 = arith.constant 0 : i32
    %dma_start3A_333 = tpu.memref_slice %arg4[%select_n3A_307, %select_n3A_323, %dma_start3A_332] : memref<64x512x128xf32, #tpu.memory_space<hbm>> -> memref<1x128x128xf32, #tpu.memory_space<hbm>>
    %dma_start3A_334 = tpu.memref_squeeze %dma_start3A_333 : memref<1x128x128xf32, #tpu.memory_space<hbm>> -> memref<128x128xf32, #tpu.memory_space<hbm>>
    %dma_start3A_335 = arith.constant 0 : i32
    %dma_start3A_336 = arith.constant 0 : i32
    %dma_start3A_337 = tpu.memref_slice %arg6[%dma_start3A_324, %dma_start3A_335, %dma_start3A_336] : memref<2x128x128xf32, #tpu.memory_space<vmem>> -> memref<1x128x128xf32, #tpu.memory_space<vmem>>
    %dma_start3A_338 = tpu.memref_squeeze %dma_start3A_337 : memref<1x128x128xf32, #tpu.memory_space<vmem>> -> memref<128x128xf32, #tpu.memory_space<vmem>>
    tpu.enqueue_dma source(%dma_start3A_338 : memref<128x128xf32, #tpu.memory_space<vmem>>) target(%dma_start3A_334 : memref<128x128xf32, #tpu.memory_space<hbm>>) target_semaphore(%arg9 : memref<!tpu.dma_semaphore, #tpu.memory_space<semaphore_mem>>)
    %dma_wait3A_339 = arith.constant 1 : i32
    %dma_wait3A_340 = arith.constant 0 : i32
    %dma_wait3A_341 = arith.constant 0 : i32
    %dma_wait3A_342 = tpu.memref_slice %arg6[%dma_wait3A_339, %dma_wait3A_340, %dma_wait3A_341] : memref<2x128x128xf32, #tpu.memory_space<vmem>> -> memref<1x128x128xf32, #tpu.memory_space<vmem>>
    %dma_wait3A_343 = tpu.memref_squeeze %dma_wait3A_342 : memref<1x128x128xf32, #tpu.memory_space<vmem>> -> memref<128x128xf32, #tpu.memory_space<vmem>>
    %dma_wait3A_344 = tpu.memref_slice %arg5[%add3A_272] : memref<1024xi32, #tpu.memory_space<vmem>> -> memref<128xi32, #tpu.memory_space<vmem>>
    %dma_wait3A_345 = arith.constant 0 : i32
    %dma_wait3A_346 = arith.constant 0 : i32
    %dma_wait3A_347 = tpu.memref_slice %arg2[%dma_wait3A_345, %dma_wait3A_346] : memref<100000x128xf32, #tpu.memory_space<hbm>> -> memref<100000x128xf32, #tpu.memory_space<hbm>>
    tpu.wait_indirect_dma semaphore(%arg8 : memref<!tpu.dma_semaphore, #tpu.memory_space<semaphore_mem>>) src(%dma_wait3A_347 : memref<100000x128xf32, #tpu.memory_space<hbm>>) dst(%dma_wait3A_343 : memref<128x128xf32, #tpu.memory_space<vmem>>)
    %dma_wait3A_348 = arith.constant 0 : i32
    %dma_wait3A_349 = arith.constant 0 : i32
    %dma_wait3A_350 = arith.constant 0 : i32
    %dma_wait3A_351 = tpu.memref_slice %arg6[%dma_wait3A_348, %dma_wait3A_349, %dma_wait3A_350] : memref<2x128x128xf32, #tpu.memory_space<vmem>> -> memref<1x128x128xf32, #tpu.memory_space<vmem>>
    %dma_wait3A_352 = tpu.memref_squeeze %dma_wait3A_351 : memref<1x128x128xf32, #tpu.memory_space<vmem>> -> memref<128x128xf32, #tpu.memory_space<vmem>>
    %dma_wait3A_353 = arith.constant 0 : i32
    %dma_wait3A_354 = tpu.memref_slice %arg4[%select_n3A_307, %select_n3A_323, %dma_wait3A_353] : memref<64x512x128xf32, #tpu.memory_space<hbm>> -> memref<1x128x128xf32, #tpu.memory_space<hbm>>
    %dma_wait3A_355 = tpu.memref_squeeze %dma_wait3A_354 : memref<1x128x128xf32, #tpu.memory_space<hbm>> -> memref<128x128xf32, #tpu.memory_space<hbm>>
    %dma_wait3A_356 = arith.constant 0 : i32
    %dma_wait3A_357 = tpu.memref_slice %arg4[%select_n3A_307, %select_n3A_323, %dma_wait3A_356] : memref<64x512x128xf32, #tpu.memory_space<hbm>> -> memref<1x128x128xf32, #tpu.memory_space<hbm>>
    %dma_wait3A_358 = tpu.memref_squeeze %dma_wait3A_357 : memref<1x128x128xf32, #tpu.memory_space<hbm>> -> memref<128x128xf32, #tpu.memory_space<hbm>>
    %dma_wait3A_359 = arith.constant 0 : i32
    %dma_wait3A_360 = arith.constant 0 : i32
    %dma_wait3A_361 = tpu.memref_slice %arg6[%dma_wait3A_348, %dma_wait3A_359, %dma_wait3A_360] : memref<2x128x128xf32, #tpu.memory_space<vmem>> -> memref<1x128x128xf32, #tpu.memory_space<vmem>>
    %dma_wait3A_362 = tpu.memref_squeeze %dma_wait3A_361 : memref<1x128x128xf32, #tpu.memory_space<vmem>> -> memref<128x128xf32, #tpu.memory_space<vmem>>
    tpu.wait_dma2 semaphore(%arg9 : memref<!tpu.dma_semaphore, #tpu.memory_space<semaphore_mem>>) src(%dma_wait3A_362 : memref<128x128xf32, #tpu.memory_space<vmem>>) dst(%dma_wait3A_358 : memref<128x128xf32, #tpu.memory_space<hbm>>)
    %add3A_363 = arith.constant 512 : i32
    %add3A_364 = arith.addi %sub3A_22, %add3A_363 : i32
    %dma_start3A_365 = arith.constant 0 : i32
    %dma_start3A_366 = arith.constant 0 : i32
    %dma_start3A_367 = arith.constant 0 : i32
    %dma_start3A_368 = tpu.memref_slice %arg6[%dma_start3A_365, %dma_start3A_366, %dma_start3A_367] : memref<2x128x128xf32, #tpu.memory_space<vmem>> -> memref<1x128x128xf32, #tpu.memory_space<vmem>>
    %dma_start3A_369 = tpu.memref_squeeze %dma_start3A_368 : memref<1x128x128xf32, #tpu.memory_space<vmem>> -> memref<128x128xf32, #tpu.memory_space<vmem>>
    %dma_start3A_370 = tpu.memref_slice %arg5[%add3A_364] : memref<1024xi32, #tpu.memory_space<vmem>> -> memref<128xi32, #tpu.memory_space<vmem>>
    %dma_start3A_371 = arith.constant 0 : i32
    %dma_start3A_372 = arith.constant 0 : i32
    %dma_start3A_373 = tpu.memref_slice %arg2[%dma_start3A_371, %dma_start3A_372] : memref<100000x128xf32, #tpu.memory_space<hbm>> -> memref<100000x128xf32, #tpu.memory_space<hbm>>
    tpu.enqueue_indirect_dma source(%dma_start3A_373 : memref<100000x128xf32, #tpu.memory_space<hbm>>) target(%dma_start3A_369 : memref<128x128xf32, #tpu.memory_space<vmem>>) offsets(%dma_start3A_370 : memref<128xi32, #tpu.memory_space<vmem>>) semaphore(%arg8 : memref<!tpu.dma_semaphore, #tpu.memory_space<semaphore_mem>>)
    %add3A_374 = arith.constant 384 : i32
    %add3A_375 = arith.addi %mul3A_2, %add3A_374 : i32
    %jit3A_376 = arith.constant 512 : i32
    %div3A_377 = arith.divsi %add3A_375, %jit3A_376 : i32
    %sign3A_378 = arith.constant 0 : i32
    %sign3A_379 = arith.cmpi sgt, %add3A_375, %sign3A_378 : i32
    %sign3A_380 = arith.extui %sign3A_379 : i1 to i32
    %sign3A_381 = arith.constant 0 : i32
    %sign3A_382 = arith.cmpi slt, %add3A_375, %sign3A_381 : i32
    %sign3A_383 = arith.extui %sign3A_382 : i1 to i32
    %sign3A_384 = arith.subi %sign3A_380, %sign3A_383 : i32
    %sign3A_385 = arith.constant 0 : i32
    %sign3A_386 = arith.cmpi sgt, %jit3A_376, %sign3A_385 : i32
    %sign3A_387 = arith.extui %sign3A_386 : i1 to i32
    %sign3A_388 = arith.constant 0 : i32
    %sign3A_389 = arith.cmpi slt, %jit3A_376, %sign3A_388 : i32
    %sign3A_390 = arith.extui %sign3A_389 : i1 to i32
    %sign3A_391 = arith.subi %sign3A_387, %sign3A_390 : i32
    %ne3A_392 = arith.cmpi ne, %sign3A_384, %sign3A_391 : i32
    %rem3A_393 = arith.remsi %add3A_375, %jit3A_376 : i32
    %ne3A_394 = arith.constant 0 : i32
    %ne3A_395 = arith.cmpi ne, %rem3A_393, %ne3A_394 : i32
    %and3A_396 = arith.andi %ne3A_392, %ne3A_395 : i1
    %sub3A_397 = arith.constant 1 : i32
    %sub3A_398 = arith.subi %div3A_377, %sub3A_397 : i32
    %select_n3A_399 = arith.select %and3A_396, %sub3A_398, %div3A_377 : i32
    %jit3A_400 = arith.constant 512 : i32
    %eq3A_401 = arith.constant 0 : i32
    %eq3A_402 = arith.cmpi eq, %jit3A_400, %eq3A_401 : i32
    %jit3A_403 = arith.constant 1 : i32
    %select_n3A_404 = arith.select %eq3A_402, %jit3A_403, %jit3A_400 : i32
    %rem3A_405 = arith.remsi %add3A_375, %select_n3A_404 : i32
    %ne3A_406 = arith.constant 0 : i32
    %ne3A_407 = arith.cmpi ne, %rem3A_405, %ne3A_406 : i32
    %lt3A_408 = arith.constant 0 : i32
    %lt3A_409 = arith.cmpi slt, %rem3A_405, %lt3A_408 : i32
    %lt3A_410 = arith.constant 0 : i32
    %lt3A_411 = arith.cmpi slt, %select_n3A_404, %lt3A_410 : i32
    %ne3A_412 = arith.xori %lt3A_409, %lt3A_411 : i1
    %and3A_413 = arith.andi %ne3A_412, %ne3A_407 : i1
    %add3A_414 = arith.addi %rem3A_405, %select_n3A_404 : i32
    %select_n3A_415 = arith.select %and3A_413, %add3A_414, %rem3A_405 : i32
    %dma_start3A_416 = arith.constant 1 : i32
    %dma_start3A_417 = arith.constant 0 : i32
    %dma_start3A_418 = arith.constant 0 : i32
    %dma_start3A_419 = tpu.memref_slice %arg6[%dma_start3A_416, %dma_start3A_417, %dma_start3A_418] : memref<2x128x128xf32, #tpu.memory_space<vmem>> -> memref<1x128x128xf32, #tpu.memory_space<vmem>>
    %dma_start3A_420 = tpu.memref_squeeze %dma_start3A_419 : memref<1x128x128xf32, #tpu.memory_space<vmem>> -> memref<128x128xf32, #tpu.memory_space<vmem>>
    %dma_start3A_421 = arith.constant 0 : i32
    %dma_start3A_422 = tpu.memref_slice %arg4[%select_n3A_399, %select_n3A_415, %dma_start3A_421] : memref<64x512x128xf32, #tpu.memory_space<hbm>> -> memref<1x128x128xf32, #tpu.memory_space<hbm>>
    %dma_start3A_423 = tpu.memref_squeeze %dma_start3A_422 : memref<1x128x128xf32, #tpu.memory_space<hbm>> -> memref<128x128xf32, #tpu.memory_space<hbm>>
    %dma_start3A_424 = arith.constant 0 : i32
    %dma_start3A_425 = tpu.memref_slice %arg4[%select_n3A_399, %select_n3A_415, %dma_start3A_424] : memref<64x512x128xf32, #tpu.memory_space<hbm>> -> memref<1x128x128xf32, #tpu.memory_space<hbm>>
    %dma_start3A_426 = tpu.memref_squeeze %dma_start3A_425 : memref<1x128x128xf32, #tpu.memory_space<hbm>> -> memref<128x128xf32, #tpu.memory_space<hbm>>
    %dma_start3A_427 = arith.constant 0 : i32
    %dma_start3A_428 = arith.constant 0 : i32
    %dma_start3A_429 = tpu.memref_slice %arg6[%dma_start3A_416, %dma_start3A_427, %dma_start3A_428] : memref<2x128x128xf32, #tpu.memory_space<vmem>> -> memref<1x128x128xf32, #tpu.memory_space<vmem>>
    %dma_start3A_430 = tpu.memref_squeeze %dma_start3A_429 : memref<1x128x128xf32, #tpu.memory_space<vmem>> -> memref<128x128xf32, #tpu.memory_space<vmem>>
    tpu.enqueue_dma source(%dma_start3A_430 : memref<128x128xf32, #tpu.memory_space<vmem>>) target(%dma_start3A_426 : memref<128x128xf32, #tpu.memory_space<hbm>>) target_semaphore(%arg10 : memref<!tpu.dma_semaphore, #tpu.memory_space<semaphore_mem>>)
    %dma_wait3A_431 = arith.constant 0 : i32
    %dma_wait3A_432 = arith.constant 0 : i32
    %dma_wait3A_433 = arith.constant 0 : i32
    %dma_wait3A_434 = tpu.memref_slice %arg6[%dma_wait3A_431, %dma_wait3A_432, %dma_wait3A_433] : memref<2x128x128xf32, #tpu.memory_space<vmem>> -> memref<1x128x128xf32, #tpu.memory_space<vmem>>
    %dma_wait3A_435 = tpu.memref_squeeze %dma_wait3A_434 : memref<1x128x128xf32, #tpu.memory_space<vmem>> -> memref<128x128xf32, #tpu.memory_space<vmem>>
    %dma_wait3A_436 = tpu.memref_slice %arg5[%add3A_364] : memref<1024xi32, #tpu.memory_space<vmem>> -> memref<128xi32, #tpu.memory_space<vmem>>
    %dma_wait3A_437 = arith.constant 0 : i32
    %dma_wait3A_438 = arith.constant 0 : i32
    %dma_wait3A_439 = tpu.memref_slice %arg2[%dma_wait3A_437, %dma_wait3A_438] : memref<100000x128xf32, #tpu.memory_space<hbm>> -> memref<100000x128xf32, #tpu.memory_space<hbm>>
    tpu.wait_indirect_dma semaphore(%arg8 : memref<!tpu.dma_semaphore, #tpu.memory_space<semaphore_mem>>) src(%dma_wait3A_439 : memref<100000x128xf32, #tpu.memory_space<hbm>>) dst(%dma_wait3A_435 : memref<128x128xf32, #tpu.memory_space<vmem>>)
    %dma_wait3A_440 = arith.constant 1 : i32
    %dma_wait3A_441 = arith.constant 0 : i32
    %dma_wait3A_442 = arith.constant 0 : i32
    %dma_wait3A_443 = tpu.memref_slice %arg6[%dma_wait3A_440, %dma_wait3A_441, %dma_wait3A_442] : memref<2x128x128xf32, #tpu.memory_space<vmem>> -> memref<1x128x128xf32, #tpu.memory_space<vmem>>
    %dma_wait3A_444 = tpu.memref_squeeze %dma_wait3A_443 : memref<1x128x128xf32, #tpu.memory_space<vmem>> -> memref<128x128xf32, #tpu.memory_space<vmem>>
    %dma_wait3A_445 = arith.constant 0 : i32
    %dma_wait3A_446 = tpu.memref_slice %arg4[%select_n3A_399, %select_n3A_415, %dma_wait3A_445] : memref<64x512x128xf32, #tpu.memory_space<hbm>> -> memref<1x128x128xf32, #tpu.memory_space<hbm>>
    %dma_wait3A_447 = tpu.memref_squeeze %dma_wait3A_446 : memref<1x128x128xf32, #tpu.memory_space<hbm>> -> memref<128x128xf32, #tpu.memory_space<hbm>>
    %dma_wait3A_448 = arith.constant 0 : i32
    %dma_wait3A_449 = tpu.memref_slice %arg4[%select_n3A_399, %select_n3A_415, %dma_wait3A_448] : memref<64x512x128xf32, #tpu.memory_space<hbm>> -> memref<1x128x128xf32, #tpu.memory_space<hbm>>
    %dma_wait3A_450 = tpu.memref_squeeze %dma_wait3A_449 : memref<1x128x128xf32, #tpu.memory_space<hbm>> -> memref<128x128xf32, #tpu.memory_space<hbm>>
    %dma_wait3A_451 = arith.constant 0 : i32
    %dma_wait3A_452 = arith.constant 0 : i32
    %dma_wait3A_453 = tpu.memref_slice %arg6[%dma_wait3A_440, %dma_wait3A_451, %dma_wait3A_452] : memref<2x128x128xf32, #tpu.memory_space<vmem>> -> memref<1x128x128xf32, #tpu.memory_space<vmem>>
    %dma_wait3A_454 = tpu.memref_squeeze %dma_wait3A_453 : memref<1x128x128xf32, #tpu.memory_space<vmem>> -> memref<128x128xf32, #tpu.memory_space<vmem>>
    tpu.wait_dma2 semaphore(%arg10 : memref<!tpu.dma_semaphore, #tpu.memory_space<semaphore_mem>>) src(%dma_wait3A_454 : memref<128x128xf32, #tpu.memory_space<vmem>>) dst(%dma_wait3A_450 : memref<128x128xf32, #tpu.memory_space<hbm>>)
    %add3A_455 = arith.constant 640 : i32
    %add3A_456 = arith.addi %sub3A_22, %add3A_455 : i32
    %dma_start3A_457 = arith.constant 1 : i32
    %dma_start3A_458 = arith.constant 0 : i32
    %dma_start3A_459 = arith.constant 0 : i32
    %dma_start3A_460 = tpu.memref_slice %arg6[%dma_start3A_457, %dma_start3A_458, %dma_start3A_459] : memref<2x128x128xf32, #tpu.memory_space<vmem>> -> memref<1x128x128xf32, #tpu.memory_space<vmem>>
    %dma_start3A_461 = tpu.memref_squeeze %dma_start3A_460 : memref<1x128x128xf32, #tpu.memory_space<vmem>> -> memref<128x128xf32, #tpu.memory_space<vmem>>
    %dma_start3A_462 = tpu.memref_slice %arg5[%add3A_456] : memref<1024xi32, #tpu.memory_space<vmem>> -> memref<128xi32, #tpu.memory_space<vmem>>
    %dma_start3A_463 = arith.constant 0 : i32
    %dma_start3A_464 = arith.constant 0 : i32
    %dma_start3A_465 = tpu.memref_slice %arg2[%dma_start3A_463, %dma_start3A_464] : memref<100000x128xf32, #tpu.memory_space<hbm>> -> memref<100000x128xf32, #tpu.memory_space<hbm>>
    tpu.enqueue_indirect_dma source(%dma_start3A_465 : memref<100000x128xf32, #tpu.memory_space<hbm>>) target(%dma_start3A_461 : memref<128x128xf32, #tpu.memory_space<vmem>>) offsets(%dma_start3A_462 : memref<128xi32, #tpu.memory_space<vmem>>) semaphore(%arg8 : memref<!tpu.dma_semaphore, #tpu.memory_space<semaphore_mem>>)
    %add3A_466 = arith.constant 512 : i32
    %add3A_467 = arith.addi %mul3A_2, %add3A_466 : i32
    %jit3A_468 = arith.constant 512 : i32
    %div3A_469 = arith.divsi %add3A_467, %jit3A_468 : i32
    %sign3A_470 = arith.constant 0 : i32
    %sign3A_471 = arith.cmpi sgt, %add3A_467, %sign3A_470 : i32
    %sign3A_472 = arith.extui %sign3A_471 : i1 to i32
    %sign3A_473 = arith.constant 0 : i32
    %sign3A_474 = arith.cmpi slt, %add3A_467, %sign3A_473 : i32
    %sign3A_475 = arith.extui %sign3A_474 : i1 to i32
    %sign3A_476 = arith.subi %sign3A_472, %sign3A_475 : i32
    %sign3A_477 = arith.constant 0 : i32
    %sign3A_478 = arith.cmpi sgt, %jit3A_468, %sign3A_477 : i32
    %sign3A_479 = arith.extui %sign3A_478 : i1 to i32
    %sign3A_480 = arith.constant 0 : i32
    %sign3A_481 = arith.cmpi slt, %jit3A_468, %sign3A_480 : i32
    %sign3A_482 = arith.extui %sign3A_481 : i1 to i32
    %sign3A_483 = arith.subi %sign3A_479, %sign3A_482 : i32
    %ne3A_484 = arith.cmpi ne, %sign3A_476, %sign3A_483 : i32
    %rem3A_485 = arith.remsi %add3A_467, %jit3A_468 : i32
    %ne3A_486 = arith.constant 0 : i32
    %ne3A_487 = arith.cmpi ne, %rem3A_485, %ne3A_486 : i32
    %and3A_488 = arith.andi %ne3A_484, %ne3A_487 : i1
    %sub3A_489 = arith.constant 1 : i32
    %sub3A_490 = arith.subi %div3A_469, %sub3A_489 : i32
    %select_n3A_491 = arith.select %and3A_488, %sub3A_490, %div3A_469 : i32
    %jit3A_492 = arith.constant 512 : i32
    %eq3A_493 = arith.constant 0 : i32
    %eq3A_494 = arith.cmpi eq, %jit3A_492, %eq3A_493 : i32
    %jit3A_495 = arith.constant 1 : i32
    %select_n3A_496 = arith.select %eq3A_494, %jit3A_495, %jit3A_492 : i32
    %rem3A_497 = arith.remsi %add3A_467, %select_n3A_496 : i32
    %ne3A_498 = arith.constant 0 : i32
    %ne3A_499 = arith.cmpi ne, %rem3A_497, %ne3A_498 : i32
    %lt3A_500 = arith.constant 0 : i32
    %lt3A_501 = arith.cmpi slt, %rem3A_497, %lt3A_500 : i32
    %lt3A_502 = arith.constant 0 : i32
    %lt3A_503 = arith.cmpi slt, %select_n3A_496, %lt3A_502 : i32
    %ne3A_504 = arith.xori %lt3A_501, %lt3A_503 : i1
    %and3A_505 = arith.andi %ne3A_504, %ne3A_499 : i1
    %add3A_506 = arith.addi %rem3A_497, %select_n3A_496 : i32
    %select_n3A_507 = arith.select %and3A_505, %add3A_506, %rem3A_497 : i32
    %dma_start3A_508 = arith.constant 0 : i32
    %dma_start3A_509 = arith.constant 0 : i32
    %dma_start3A_510 = arith.constant 0 : i32
    %dma_start3A_511 = tpu.memref_slice %arg6[%dma_start3A_508, %dma_start3A_509, %dma_start3A_510] : memref<2x128x128xf32, #tpu.memory_space<vmem>> -> memref<1x128x128xf32, #tpu.memory_space<vmem>>
    %dma_start3A_512 = tpu.memref_squeeze %dma_start3A_511 : memref<1x128x128xf32, #tpu.memory_space<vmem>> -> memref<128x128xf32, #tpu.memory_space<vmem>>
    %dma_start3A_513 = arith.constant 0 : i32
    %dma_start3A_514 = tpu.memref_slice %arg4[%select_n3A_491, %select_n3A_507, %dma_start3A_513] : memref<64x512x128xf32, #tpu.memory_space<hbm>> -> memref<1x128x128xf32, #tpu.memory_space<hbm>>
    %dma_start3A_515 = tpu.memref_squeeze %dma_start3A_514 : memref<1x128x128xf32, #tpu.memory_space<hbm>> -> memref<128x128xf32, #tpu.memory_space<hbm>>
    %dma_start3A_516 = arith.constant 0 : i32
    %dma_start3A_517 = tpu.memref_slice %arg4[%select_n3A_491, %select_n3A_507, %dma_start3A_516] : memref<64x512x128xf32, #tpu.memory_space<hbm>> -> memref<1x128x128xf32, #tpu.memory_space<hbm>>
    %dma_start3A_518 = tpu.memref_squeeze %dma_start3A_517 : memref<1x128x128xf32, #tpu.memory_space<hbm>> -> memref<128x128xf32, #tpu.memory_space<hbm>>
    %dma_start3A_519 = arith.constant 0 : i32
    %dma_start3A_520 = arith.constant 0 : i32
    %dma_start3A_521 = tpu.memref_slice %arg6[%dma_start3A_508, %dma_start3A_519, %dma_start3A_520] : memref<2x128x128xf32, #tpu.memory_space<vmem>> -> memref<1x128x128xf32, #tpu.memory_space<vmem>>
    %dma_start3A_522 = tpu.memref_squeeze %dma_start3A_521 : memref<1x128x128xf32, #tpu.memory_space<vmem>> -> memref<128x128xf32, #tpu.memory_space<vmem>>
    tpu.enqueue_dma source(%dma_start3A_522 : memref<128x128xf32, #tpu.memory_space<vmem>>) target(%dma_start3A_518 : memref<128x128xf32, #tpu.memory_space<hbm>>) target_semaphore(%arg9 : memref<!tpu.dma_semaphore, #tpu.memory_space<semaphore_mem>>)
    %dma_wait3A_523 = arith.constant 1 : i32
    %dma_wait3A_524 = arith.constant 0 : i32
    %dma_wait3A_525 = arith.constant 0 : i32
    %dma_wait3A_526 = tpu.memref_slice %arg6[%dma_wait3A_523, %dma_wait3A_524, %dma_wait3A_525] : memref<2x128x128xf32, #tpu.memory_space<vmem>> -> memref<1x128x128xf32, #tpu.memory_space<vmem>>
    %dma_wait3A_527 = tpu.memref_squeeze %dma_wait3A_526 : memref<1x128x128xf32, #tpu.memory_space<vmem>> -> memref<128x128xf32, #tpu.memory_space<vmem>>
    %dma_wait3A_528 = tpu.memref_slice %arg5[%add3A_456] : memref<1024xi32, #tpu.memory_space<vmem>> -> memref<128xi32, #tpu.memory_space<vmem>>
    %dma_wait3A_529 = arith.constant 0 : i32
    %dma_wait3A_530 = arith.constant 0 : i32
    %dma_wait3A_531 = tpu.memref_slice %arg2[%dma_wait3A_529, %dma_wait3A_530] : memref<100000x128xf32, #tpu.memory_space<hbm>> -> memref<100000x128xf32, #tpu.memory_space<hbm>>
    tpu.wait_indirect_dma semaphore(%arg8 : memref<!tpu.dma_semaphore, #tpu.memory_space<semaphore_mem>>) src(%dma_wait3A_531 : memref<100000x128xf32, #tpu.memory_space<hbm>>) dst(%dma_wait3A_527 : memref<128x128xf32, #tpu.memory_space<vmem>>)
    %dma_wait3A_532 = arith.constant 0 : i32
    %dma_wait3A_533 = arith.constant 0 : i32
    %dma_wait3A_534 = arith.constant 0 : i32
    %dma_wait3A_535 = tpu.memref_slice %arg6[%dma_wait3A_532, %dma_wait3A_533, %dma_wait3A_534] : memref<2x128x128xf32, #tpu.memory_space<vmem>> -> memref<1x128x128xf32, #tpu.memory_space<vmem>>
    %dma_wait3A_536 = tpu.memref_squeeze %dma_wait3A_535 : memref<1x128x128xf32, #tpu.memory_space<vmem>> -> memref<128x128xf32, #tpu.memory_space<vmem>>
    %dma_wait3A_537 = arith.constant 0 : i32
    %dma_wait3A_538 = tpu.memref_slice %arg4[%select_n3A_491, %select_n3A_507, %dma_wait3A_537] : memref<64x512x128xf32, #tpu.memory_space<hbm>> -> memref<1x128x128xf32, #tpu.memory_space<hbm>>
    %dma_wait3A_539 = tpu.memref_squeeze %dma_wait3A_538 : memref<1x128x128xf32, #tpu.memory_space<hbm>> -> memref<128x128xf32, #tpu.memory_space<hbm>>
    %dma_wait3A_540 = arith.constant 0 : i32
    %dma_wait3A_541 = tpu.memref_slice %arg4[%select_n3A_491, %select_n3A_507, %dma_wait3A_540] : memref<64x512x128xf32, #tpu.memory_space<hbm>> -> memref<1x128x128xf32, #tpu.memory_space<hbm>>
    %dma_wait3A_542 = tpu.memref_squeeze %dma_wait3A_541 : memref<1x128x128xf32, #tpu.memory_space<hbm>> -> memref<128x128xf32, #tpu.memory_space<hbm>>
    %dma_wait3A_543 = arith.constant 0 : i32
    %dma_wait3A_544 = arith.constant 0 : i32
    %dma_wait3A_545 = tpu.memref_slice %arg6[%dma_wait3A_532, %dma_wait3A_543, %dma_wait3A_544] : memref<2x128x128xf32, #tpu.memory_space<vmem>> -> memref<1x128x128xf32, #tpu.memory_space<vmem>>
    %dma_wait3A_546 = tpu.memref_squeeze %dma_wait3A_545 : memref<1x128x128xf32, #tpu.memory_space<vmem>> -> memref<128x128xf32, #tpu.memory_space<vmem>>
    tpu.wait_dma2 semaphore(%arg9 : memref<!tpu.dma_semaphore, #tpu.memory_space<semaphore_mem>>) src(%dma_wait3A_546 : memref<128x128xf32, #tpu.memory_space<vmem>>) dst(%dma_wait3A_542 : memref<128x128xf32, #tpu.memory_space<hbm>>)
    %add3A_547 = arith.constant 768 : i32
    %add3A_548 = arith.addi %sub3A_22, %add3A_547 : i32
    %dma_start3A_549 = arith.constant 0 : i32
    %dma_start3A_550 = arith.constant 0 : i32
    %dma_start3A_551 = arith.constant 0 : i32
    %dma_start3A_552 = tpu.memref_slice %arg6[%dma_start3A_549, %dma_start3A_550, %dma_start3A_551] : memref<2x128x128xf32, #tpu.memory_space<vmem>> -> memref<1x128x128xf32, #tpu.memory_space<vmem>>
    %dma_start3A_553 = tpu.memref_squeeze %dma_start3A_552 : memref<1x128x128xf32, #tpu.memory_space<vmem>> -> memref<128x128xf32, #tpu.memory_space<vmem>>
    %dma_start3A_554 = tpu.memref_slice %arg5[%add3A_548] : memref<1024xi32, #tpu.memory_space<vmem>> -> memref<128xi32, #tpu.memory_space<vmem>>
    %dma_start3A_555 = arith.constant 0 : i32
    %dma_start3A_556 = arith.constant 0 : i32
    %dma_start3A_557 = tpu.memref_slice %arg2[%dma_start3A_555, %dma_start3A_556] : memref<100000x128xf32, #tpu.memory_space<hbm>> -> memref<100000x128xf32, #tpu.memory_space<hbm>>
    tpu.enqueue_indirect_dma source(%dma_start3A_557 : memref<100000x128xf32, #tpu.memory_space<hbm>>) target(%dma_start3A_553 : memref<128x128xf32, #tpu.memory_space<vmem>>) offsets(%dma_start3A_554 : memref<128xi32, #tpu.memory_space<vmem>>) semaphore(%arg8 : memref<!tpu.dma_semaphore, #tpu.memory_space<semaphore_mem>>)
    %add3A_558 = arith.constant 640 : i32
    %add3A_559 = arith.addi %mul3A_2, %add3A_558 : i32
    %jit3A_560 = arith.constant 512 : i32
    %div3A_561 = arith.divsi %add3A_559, %jit3A_560 : i32
    %sign3A_562 = arith.constant 0 : i32
    %sign3A_563 = arith.cmpi sgt, %add3A_559, %sign3A_562 : i32
    %sign3A_564 = arith.extui %sign3A_563 : i1 to i32
    %sign3A_565 = arith.constant 0 : i32
    %sign3A_566 = arith.cmpi slt, %add3A_559, %sign3A_565 : i32
    %sign3A_567 = arith.extui %sign3A_566 : i1 to i32
    %sign3A_568 = arith.subi %sign3A_564, %sign3A_567 : i32
    %sign3A_569 = arith.constant 0 : i32
    %sign3A_570 = arith.cmpi sgt, %jit3A_560, %sign3A_569 : i32
    %sign3A_571 = arith.extui %sign3A_570 : i1 to i32
    %sign3A_572 = arith.constant 0 : i32
    %sign3A_573 = arith.cmpi slt, %jit3A_560, %sign3A_572 : i32
    %sign3A_574 = arith.extui %sign3A_573 : i1 to i32
    %sign3A_575 = arith.subi %sign3A_571, %sign3A_574 : i32
    %ne3A_576 = arith.cmpi ne, %sign3A_568, %sign3A_575 : i32
    %rem3A_577 = arith.remsi %add3A_559, %jit3A_560 : i32
    %ne3A_578 = arith.constant 0 : i32
    %ne3A_579 = arith.cmpi ne, %rem3A_577, %ne3A_578 : i32
    %and3A_580 = arith.andi %ne3A_576, %ne3A_579 : i1
    %sub3A_581 = arith.constant 1 : i32
    %sub3A_582 = arith.subi %div3A_561, %sub3A_581 : i32
    %select_n3A_583 = arith.select %and3A_580, %sub3A_582, %div3A_561 : i32
    %jit3A_584 = arith.constant 512 : i32
    %eq3A_585 = arith.constant 0 : i32
    %eq3A_586 = arith.cmpi eq, %jit3A_584, %eq3A_585 : i32
    %jit3A_587 = arith.constant 1 : i32
    %select_n3A_588 = arith.select %eq3A_586, %jit3A_587, %jit3A_584 : i32
    %rem3A_589 = arith.remsi %add3A_559, %select_n3A_588 : i32
    %ne3A_590 = arith.constant 0 : i32
    %ne3A_591 = arith.cmpi ne, %rem3A_589, %ne3A_590 : i32
    %lt3A_592 = arith.constant 0 : i32
    %lt3A_593 = arith.cmpi slt, %rem3A_589, %lt3A_592 : i32
    %lt3A_594 = arith.constant 0 : i32
    %lt3A_595 = arith.cmpi slt, %select_n3A_588, %lt3A_594 : i32
    %ne3A_596 = arith.xori %lt3A_593, %lt3A_595 : i1
    %and3A_597 = arith.andi %ne3A_596, %ne3A_591 : i1
    %add3A_598 = arith.addi %rem3A_589, %select_n3A_588 : i32
    %select_n3A_599 = arith.select %and3A_597, %add3A_598, %rem3A_589 : i32
    %dma_start3A_600 = arith.constant 1 : i32
    %dma_start3A_601 = arith.constant 0 : i32
    %dma_start3A_602 = arith.constant 0 : i32
    %dma_start3A_603 = tpu.memref_slice %arg6[%dma_start3A_600, %dma_start3A_601, %dma_start3A_602] : memref<2x128x128xf32, #tpu.memory_space<vmem>> -> memref<1x128x128xf32, #tpu.memory_space<vmem>>
    %dma_start3A_604 = tpu.memref_squeeze %dma_start3A_603 : memref<1x128x128xf32, #tpu.memory_space<vmem>> -> memref<128x128xf32, #tpu.memory_space<vmem>>
    %dma_start3A_605 = arith.constant 0 : i32
    %dma_start3A_606 = tpu.memref_slice %arg4[%select_n3A_583, %select_n3A_599, %dma_start3A_605] : memref<64x512x128xf32, #tpu.memory_space<hbm>> -> memref<1x128x128xf32, #tpu.memory_space<hbm>>
    %dma_start3A_607 = tpu.memref_squeeze %dma_start3A_606 : memref<1x128x128xf32, #tpu.memory_space<hbm>> -> memref<128x128xf32, #tpu.memory_space<hbm>>
    %dma_start3A_608 = arith.constant 0 : i32
    %dma_start3A_609 = tpu.memref_slice %arg4[%select_n3A_583, %select_n3A_599, %dma_start3A_608] : memref<64x512x128xf32, #tpu.memory_space<hbm>> -> memref<1x128x128xf32, #tpu.memory_space<hbm>>
    %dma_start3A_610 = tpu.memref_squeeze %dma_start3A_609 : memref<1x128x128xf32, #tpu.memory_space<hbm>> -> memref<128x128xf32, #tpu.memory_space<hbm>>
    %dma_start3A_611 = arith.constant 0 : i32
    %dma_start3A_612 = arith.constant 0 : i32
    %dma_start3A_613 = tpu.memref_slice %arg6[%dma_start3A_600, %dma_start3A_611, %dma_start3A_612] : memref<2x128x128xf32, #tpu.memory_space<vmem>> -> memref<1x128x128xf32, #tpu.memory_space<vmem>>
    %dma_start3A_614 = tpu.memref_squeeze %dma_start3A_613 : memref<1x128x128xf32, #tpu.memory_space<vmem>> -> memref<128x128xf32, #tpu.memory_space<vmem>>
    tpu.enqueue_dma source(%dma_start3A_614 : memref<128x128xf32, #tpu.memory_space<vmem>>) target(%dma_start3A_610 : memref<128x128xf32, #tpu.memory_space<hbm>>) target_semaphore(%arg10 : memref<!tpu.dma_semaphore, #tpu.memory_space<semaphore_mem>>)
    %dma_wait3A_615 = arith.constant 0 : i32
    %dma_wait3A_616 = arith.constant 0 : i32
    %dma_wait3A_617 = arith.constant 0 : i32
    %dma_wait3A_618 = tpu.memref_slice %arg6[%dma_wait3A_615, %dma_wait3A_616, %dma_wait3A_617] : memref<2x128x128xf32, #tpu.memory_space<vmem>> -> memref<1x128x128xf32, #tpu.memory_space<vmem>>
    %dma_wait3A_619 = tpu.memref_squeeze %dma_wait3A_618 : memref<1x128x128xf32, #tpu.memory_space<vmem>> -> memref<128x128xf32, #tpu.memory_space<vmem>>
    %dma_wait3A_620 = tpu.memref_slice %arg5[%add3A_548] : memref<1024xi32, #tpu.memory_space<vmem>> -> memref<128xi32, #tpu.memory_space<vmem>>
    %dma_wait3A_621 = arith.constant 0 : i32
    %dma_wait3A_622 = arith.constant 0 : i32
    %dma_wait3A_623 = tpu.memref_slice %arg2[%dma_wait3A_621, %dma_wait3A_622] : memref<100000x128xf32, #tpu.memory_space<hbm>> -> memref<100000x128xf32, #tpu.memory_space<hbm>>
    tpu.wait_indirect_dma semaphore(%arg8 : memref<!tpu.dma_semaphore, #tpu.memory_space<semaphore_mem>>) src(%dma_wait3A_623 : memref<100000x128xf32, #tpu.memory_space<hbm>>) dst(%dma_wait3A_619 : memref<128x128xf32, #tpu.memory_space<vmem>>)
    %dma_wait3A_624 = arith.constant 1 : i32
    %dma_wait3A_625 = arith.constant 0 : i32
    %dma_wait3A_626 = arith.constant 0 : i32
    %dma_wait3A_627 = tpu.memref_slice %arg6[%dma_wait3A_624, %dma_wait3A_625, %dma_wait3A_626] : memref<2x128x128xf32, #tpu.memory_space<vmem>> -> memref<1x128x128xf32, #tpu.memory_space<vmem>>
    %dma_wait3A_628 = tpu.memref_squeeze %dma_wait3A_627 : memref<1x128x128xf32, #tpu.memory_space<vmem>> -> memref<128x128xf32, #tpu.memory_space<vmem>>
    %dma_wait3A_629 = arith.constant 0 : i32
    %dma_wait3A_630 = tpu.memref_slice %arg4[%select_n3A_583, %select_n3A_599, %dma_wait3A_629] : memref<64x512x128xf32, #tpu.memory_space<hbm>> -> memref<1x128x128xf32, #tpu.memory_space<hbm>>
    %dma_wait3A_631 = tpu.memref_squeeze %dma_wait3A_630 : memref<1x128x128xf32, #tpu.memory_space<hbm>> -> memref<128x128xf32, #tpu.memory_space<hbm>>
    %dma_wait3A_632 = arith.constant 0 : i32
    %dma_wait3A_633 = tpu.memref_slice %arg4[%select_n3A_583, %select_n3A_599, %dma_wait3A_632] : memref<64x512x128xf32, #tpu.memory_space<hbm>> -> memref<1x128x128xf32, #tpu.memory_space<hbm>>
    %dma_wait3A_634 = tpu.memref_squeeze %dma_wait3A_633 : memref<1x128x128xf32, #tpu.memory_space<hbm>> -> memref<128x128xf32, #tpu.memory_space<hbm>>
    %dma_wait3A_635 = arith.constant 0 : i32
    %dma_wait3A_636 = arith.constant 0 : i32
    %dma_wait3A_637 = tpu.memref_slice %arg6[%dma_wait3A_624, %dma_wait3A_635, %dma_wait3A_636] : memref<2x128x128xf32, #tpu.memory_space<vmem>> -> memref<1x128x128xf32, #tpu.memory_space<vmem>>
    %dma_wait3A_638 = tpu.memref_squeeze %dma_wait3A_637 : memref<1x128x128xf32, #tpu.memory_space<vmem>> -> memref<128x128xf32, #tpu.memory_space<vmem>>
    tpu.wait_dma2 semaphore(%arg10 : memref<!tpu.dma_semaphore, #tpu.memory_space<semaphore_mem>>) src(%dma_wait3A_638 : memref<128x128xf32, #tpu.memory_space<vmem>>) dst(%dma_wait3A_634 : memref<128x128xf32, #tpu.memory_space<hbm>>)
    %add3A_639 = arith.constant 896 : i32
    %add3A_640 = arith.addi %sub3A_22, %add3A_639 : i32
    %dma_start3A_641 = arith.constant 1 : i32
    %dma_start3A_642 = arith.constant 0 : i32
    %dma_start3A_643 = arith.constant 0 : i32
    %dma_start3A_644 = tpu.memref_slice %arg6[%dma_start3A_641, %dma_start3A_642, %dma_start3A_643] : memref<2x128x128xf32, #tpu.memory_space<vmem>> -> memref<1x128x128xf32, #tpu.memory_space<vmem>>
    %dma_start3A_645 = tpu.memref_squeeze %dma_start3A_644 : memref<1x128x128xf32, #tpu.memory_space<vmem>> -> memref<128x128xf32, #tpu.memory_space<vmem>>
    %dma_start3A_646 = tpu.memref_slice %arg5[%add3A_640] : memref<1024xi32, #tpu.memory_space<vmem>> -> memref<128xi32, #tpu.memory_space<vmem>>
    %dma_start3A_647 = arith.constant 0 : i32
    %dma_start3A_648 = arith.constant 0 : i32
    %dma_start3A_649 = tpu.memref_slice %arg2[%dma_start3A_647, %dma_start3A_648] : memref<100000x128xf32, #tpu.memory_space<hbm>> -> memref<100000x128xf32, #tpu.memory_space<hbm>>
    tpu.enqueue_indirect_dma source(%dma_start3A_649 : memref<100000x128xf32, #tpu.memory_space<hbm>>) target(%dma_start3A_645 : memref<128x128xf32, #tpu.memory_space<vmem>>) offsets(%dma_start3A_646 : memref<128xi32, #tpu.memory_space<vmem>>) semaphore(%arg8 : memref<!tpu.dma_semaphore, #tpu.memory_space<semaphore_mem>>)
    %add3A_650 = arith.constant 768 : i32
    %add3A_651 = arith.addi %mul3A_2, %add3A_650 : i32
    %jit3A_652 = arith.constant 512 : i32
    %div3A_653 = arith.divsi %add3A_651, %jit3A_652 : i32
    %sign3A_654 = arith.constant 0 : i32
    %sign3A_655 = arith.cmpi sgt, %add3A_651, %sign3A_654 : i32
    %sign3A_656 = arith.extui %sign3A_655 : i1 to i32
    %sign3A_657 = arith.constant 0 : i32
    %sign3A_658 = arith.cmpi slt, %add3A_651, %sign3A_657 : i32
    %sign3A_659 = arith.extui %sign3A_658 : i1 to i32
    %sign3A_660 = arith.subi %sign3A_656, %sign3A_659 : i32
    %sign3A_661 = arith.constant 0 : i32
    %sign3A_662 = arith.cmpi sgt, %jit3A_652, %sign3A_661 : i32
    %sign3A_663 = arith.extui %sign3A_662 : i1 to i32
    %sign3A_664 = arith.constant 0 : i32
    %sign3A_665 = arith.cmpi slt, %jit3A_652, %sign3A_664 : i32
    %sign3A_666 = arith.extui %sign3A_665 : i1 to i32
    %sign3A_667 = arith.subi %sign3A_663, %sign3A_666 : i32
    %ne3A_668 = arith.cmpi ne, %sign3A_660, %sign3A_667 : i32
    %rem3A_669 = arith.remsi %add3A_651, %jit3A_652 : i32
    %ne3A_670 = arith.constant 0 : i32
    %ne3A_671 = arith.cmpi ne, %rem3A_669, %ne3A_670 : i32
    %and3A_672 = arith.andi %ne3A_668, %ne3A_671 : i1
    %sub3A_673 = arith.constant 1 : i32
    %sub3A_674 = arith.subi %div3A_653, %sub3A_673 : i32
    %select_n3A_675 = arith.select %and3A_672, %sub3A_674, %div3A_653 : i32
    %jit3A_676 = arith.constant 512 : i32
    %eq3A_677 = arith.constant 0 : i32
    %eq3A_678 = arith.cmpi eq, %jit3A_676, %eq3A_677 : i32
    %jit3A_679 = arith.constant 1 : i32
    %select_n3A_680 = arith.select %eq3A_678, %jit3A_679, %jit3A_676 : i32
    %rem3A_681 = arith.remsi %add3A_651, %select_n3A_680 : i32
    %ne3A_682 = arith.constant 0 : i32
    %ne3A_683 = arith.cmpi ne, %rem3A_681, %ne3A_682 : i32
    %lt3A_684 = arith.constant 0 : i32
    %lt3A_685 = arith.cmpi slt, %rem3A_681, %lt3A_684 : i32
    %lt3A_686 = arith.constant 0 : i32
    %lt3A_687 = arith.cmpi slt, %select_n3A_680, %lt3A_686 : i32
    %ne3A_688 = arith.xori %lt3A_685, %lt3A_687 : i1
    %and3A_689 = arith.andi %ne3A_688, %ne3A_683 : i1
    %add3A_690 = arith.addi %rem3A_681, %select_n3A_680 : i32
    %select_n3A_691 = arith.select %and3A_689, %add3A_690, %rem3A_681 : i32
    %dma_start3A_692 = arith.constant 0 : i32
    %dma_start3A_693 = arith.constant 0 : i32
    %dma_start3A_694 = arith.constant 0 : i32
    %dma_start3A_695 = tpu.memref_slice %arg6[%dma_start3A_692, %dma_start3A_693, %dma_start3A_694] : memref<2x128x128xf32, #tpu.memory_space<vmem>> -> memref<1x128x128xf32, #tpu.memory_space<vmem>>
    %dma_start3A_696 = tpu.memref_squeeze %dma_start3A_695 : memref<1x128x128xf32, #tpu.memory_space<vmem>> -> memref<128x128xf32, #tpu.memory_space<vmem>>
    %dma_start3A_697 = arith.constant 0 : i32
    %dma_start3A_698 = tpu.memref_slice %arg4[%select_n3A_675, %select_n3A_691, %dma_start3A_697] : memref<64x512x128xf32, #tpu.memory_space<hbm>> -> memref<1x128x128xf32, #tpu.memory_space<hbm>>
    %dma_start3A_699 = tpu.memref_squeeze %dma_start3A_698 : memref<1x128x128xf32, #tpu.memory_space<hbm>> -> memref<128x128xf32, #tpu.memory_space<hbm>>
    %dma_start3A_700 = arith.constant 0 : i32
    %dma_start3A_701 = tpu.memref_slice %arg4[%select_n3A_675, %select_n3A_691, %dma_start3A_700] : memref<64x512x128xf32, #tpu.memory_space<hbm>> -> memref<1x128x128xf32, #tpu.memory_space<hbm>>
    %dma_start3A_702 = tpu.memref_squeeze %dma_start3A_701 : memref<1x128x128xf32, #tpu.memory_space<hbm>> -> memref<128x128xf32, #tpu.memory_space<hbm>>
    %dma_start3A_703 = arith.constant 0 : i32
    %dma_start3A_704 = arith.constant 0 : i32
    %dma_start3A_705 = tpu.memref_slice %arg6[%dma_start3A_692, %dma_start3A_703, %dma_start3A_704] : memref<2x128x128xf32, #tpu.memory_space<vmem>> -> memref<1x128x128xf32, #tpu.memory_space<vmem>>
    %dma_start3A_706 = tpu.memref_squeeze %dma_start3A_705 : memref<1x128x128xf32, #tpu.memory_space<vmem>> -> memref<128x128xf32, #tpu.memory_space<vmem>>
    tpu.enqueue_dma source(%dma_start3A_706 : memref<128x128xf32, #tpu.memory_space<vmem>>) target(%dma_start3A_702 : memref<128x128xf32, #tpu.memory_space<hbm>>) target_semaphore(%arg9 : memref<!tpu.dma_semaphore, #tpu.memory_space<semaphore_mem>>)
    %dma_wait3A_707 = arith.constant 1 : i32
    %dma_wait3A_708 = arith.constant 0 : i32
    %dma_wait3A_709 = arith.constant 0 : i32
    %dma_wait3A_710 = tpu.memref_slice %arg6[%dma_wait3A_707, %dma_wait3A_708, %dma_wait3A_709] : memref<2x128x128xf32, #tpu.memory_space<vmem>> -> memref<1x128x128xf32, #tpu.memory_space<vmem>>
    %dma_wait3A_711 = tpu.memref_squeeze %dma_wait3A_710 : memref<1x128x128xf32, #tpu.memory_space<vmem>> -> memref<128x128xf32, #tpu.memory_space<vmem>>
    %dma_wait3A_712 = tpu.memref_slice %arg5[%add3A_640] : memref<1024xi32, #tpu.memory_space<vmem>> -> memref<128xi32, #tpu.memory_space<vmem>>
    %dma_wait3A_713 = arith.constant 0 : i32
    %dma_wait3A_714 = arith.constant 0 : i32
    %dma_wait3A_715 = tpu.memref_slice %arg2[%dma_wait3A_713, %dma_wait3A_714] : memref<100000x128xf32, #tpu.memory_space<hbm>> -> memref<100000x128xf32, #tpu.memory_space<hbm>>
    tpu.wait_indirect_dma semaphore(%arg8 : memref<!tpu.dma_semaphore, #tpu.memory_space<semaphore_mem>>) src(%dma_wait3A_715 : memref<100000x128xf32, #tpu.memory_space<hbm>>) dst(%dma_wait3A_711 : memref<128x128xf32, #tpu.memory_space<vmem>>)
    %add3A_716 = arith.constant 896 : i32
    %add3A_717 = arith.addi %mul3A_2, %add3A_716 : i32
    %jit3A_718 = arith.constant 512 : i32
    %div3A_719 = arith.divsi %add3A_717, %jit3A_718 : i32
    %sign3A_720 = arith.constant 0 : i32
    %sign3A_721 = arith.cmpi sgt, %add3A_717, %sign3A_720 : i32
    %sign3A_722 = arith.extui %sign3A_721 : i1 to i32
    %sign3A_723 = arith.constant 0 : i32
    %sign3A_724 = arith.cmpi slt, %add3A_717, %sign3A_723 : i32
    %sign3A_725 = arith.extui %sign3A_724 : i1 to i32
    %sign3A_726 = arith.subi %sign3A_722, %sign3A_725 : i32
    %sign3A_727 = arith.constant 0 : i32
    %sign3A_728 = arith.cmpi sgt, %jit3A_718, %sign3A_727 : i32
    %sign3A_729 = arith.extui %sign3A_728 : i1 to i32
    %sign3A_730 = arith.constant 0 : i32
    %sign3A_731 = arith.cmpi slt, %jit3A_718, %sign3A_730 : i32
    %sign3A_732 = arith.extui %sign3A_731 : i1 to i32
    %sign3A_733 = arith.subi %sign3A_729, %sign3A_732 : i32
    %ne3A_734 = arith.cmpi ne, %sign3A_726, %sign3A_733 : i32
    %rem3A_735 = arith.remsi %add3A_717, %jit3A_718 : i32
    %ne3A_736 = arith.constant 0 : i32
    %ne3A_737 = arith.cmpi ne, %rem3A_735, %ne3A_736 : i32
    %and3A_738 = arith.andi %ne3A_734, %ne3A_737 : i1
    %sub3A_739 = arith.constant 1 : i32
    %sub3A_740 = arith.subi %div3A_719, %sub3A_739 : i32
    %select_n3A_741 = arith.select %and3A_738, %sub3A_740, %div3A_719 : i32
    %jit3A_742 = arith.constant 512 : i32
    %eq3A_743 = arith.constant 0 : i32
    %eq3A_744 = arith.cmpi eq, %jit3A_742, %eq3A_743 : i32
    %jit3A_745 = arith.constant 1 : i32
    %select_n3A_746 = arith.select %eq3A_744, %jit3A_745, %jit3A_742 : i32
    %rem3A_747 = arith.remsi %add3A_717, %select_n3A_746 : i32
    %ne3A_748 = arith.constant 0 : i32
    %ne3A_749 = arith.cmpi ne, %rem3A_747, %ne3A_748 : i32
    %lt3A_750 = arith.constant 0 : i32
    %lt3A_751 = arith.cmpi slt, %rem3A_747, %lt3A_750 : i32
    %lt3A_752 = arith.constant 0 : i32
    %lt3A_753 = arith.cmpi slt, %select_n3A_746, %lt3A_752 : i32
    %ne3A_754 = arith.xori %lt3A_751, %lt3A_753 : i1
    %and3A_755 = arith.andi %ne3A_754, %ne3A_749 : i1
    %add3A_756 = arith.addi %rem3A_747, %select_n3A_746 : i32
    %select_n3A_757 = arith.select %and3A_755, %add3A_756, %rem3A_747 : i32
    %dma_start3A_758 = arith.constant 1 : i32
    %dma_start3A_759 = arith.constant 0 : i32
    %dma_start3A_760 = arith.constant 0 : i32
    %dma_start3A_761 = tpu.memref_slice %arg6[%dma_start3A_758, %dma_start3A_759, %dma_start3A_760] : memref<2x128x128xf32, #tpu.memory_space<vmem>> -> memref<1x128x128xf32, #tpu.memory_space<vmem>>
    %dma_start3A_762 = tpu.memref_squeeze %dma_start3A_761 : memref<1x128x128xf32, #tpu.memory_space<vmem>> -> memref<128x128xf32, #tpu.memory_space<vmem>>
    %dma_start3A_763 = arith.constant 0 : i32
    %dma_start3A_764 = tpu.memref_slice %arg4[%select_n3A_741, %select_n3A_757, %dma_start3A_763] : memref<64x512x128xf32, #tpu.memory_space<hbm>> -> memref<1x128x128xf32, #tpu.memory_space<hbm>>
    %dma_start3A_765 = tpu.memref_squeeze %dma_start3A_764 : memref<1x128x128xf32, #tpu.memory_space<hbm>> -> memref<128x128xf32, #tpu.memory_space<hbm>>
    %dma_start3A_766 = arith.constant 0 : i32
    %dma_start3A_767 = tpu.memref_slice %arg4[%select_n3A_741, %select_n3A_757, %dma_start3A_766] : memref<64x512x128xf32, #tpu.memory_space<hbm>> -> memref<1x128x128xf32, #tpu.memory_space<hbm>>
    %dma_start3A_768 = tpu.memref_squeeze %dma_start3A_767 : memref<1x128x128xf32, #tpu.memory_space<hbm>> -> memref<128x128xf32, #tpu.memory_space<hbm>>
    %dma_start3A_769 = arith.constant 0 : i32
    %dma_start3A_770 = arith.constant 0 : i32
    %dma_start3A_771 = tpu.memref_slice %arg6[%dma_start3A_758, %dma_start3A_769, %dma_start3A_770] : memref<2x128x128xf32, #tpu.memory_space<vmem>> -> memref<1x128x128xf32, #tpu.memory_space<vmem>>
    %dma_start3A_772 = tpu.memref_squeeze %dma_start3A_771 : memref<1x128x128xf32, #tpu.memory_space<vmem>> -> memref<128x128xf32, #tpu.memory_space<vmem>>
    tpu.enqueue_dma source(%dma_start3A_772 : memref<128x128xf32, #tpu.memory_space<vmem>>) target(%dma_start3A_768 : memref<128x128xf32, #tpu.memory_space<hbm>>) target_semaphore(%arg10 : memref<!tpu.dma_semaphore, #tpu.memory_space<semaphore_mem>>)
    %dma_wait3A_773 = arith.constant 0 : i32
    %dma_wait3A_774 = arith.constant 0 : i32
    %dma_wait3A_775 = arith.constant 0 : i32
    %dma_wait3A_776 = tpu.memref_slice %arg6[%dma_wait3A_773, %dma_wait3A_774, %dma_wait3A_775] : memref<2x128x128xf32, #tpu.memory_space<vmem>> -> memref<1x128x128xf32, #tpu.memory_space<vmem>>
    %dma_wait3A_777 = tpu.memref_squeeze %dma_wait3A_776 : memref<1x128x128xf32, #tpu.memory_space<vmem>> -> memref<128x128xf32, #tpu.memory_space<vmem>>
    %dma_wait3A_778 = arith.constant 0 : i32
    %dma_wait3A_779 = tpu.memref_slice %arg4[%select_n3A_675, %select_n3A_691, %dma_wait3A_778] : memref<64x512x128xf32, #tpu.memory_space<hbm>> -> memref<1x128x128xf32, #tpu.memory_space<hbm>>
    %dma_wait3A_780 = tpu.memref_squeeze %dma_wait3A_779 : memref<1x128x128xf32, #tpu.memory_space<hbm>> -> memref<128x128xf32, #tpu.memory_space<hbm>>
    %dma_wait3A_781 = arith.constant 0 : i32
    %dma_wait3A_782 = tpu.memref_slice %arg4[%select_n3A_675, %select_n3A_691, %dma_wait3A_781] : memref<64x512x128xf32, #tpu.memory_space<hbm>> -> memref<1x128x128xf32, #tpu.memory_space<hbm>>
    %dma_wait3A_783 = tpu.memref_squeeze %dma_wait3A_782 : memref<1x128x128xf32, #tpu.memory_space<hbm>> -> memref<128x128xf32, #tpu.memory_space<hbm>>
    %dma_wait3A_784 = arith.constant 0 : i32
    %dma_wait3A_785 = arith.constant 0 : i32
    %dma_wait3A_786 = tpu.memref_slice %arg6[%dma_wait3A_773, %dma_wait3A_784, %dma_wait3A_785] : memref<2x128x128xf32, #tpu.memory_space<vmem>> -> memref<1x128x128xf32, #tpu.memory_space<vmem>>
    %dma_wait3A_787 = tpu.memref_squeeze %dma_wait3A_786 : memref<1x128x128xf32, #tpu.memory_space<vmem>> -> memref<128x128xf32, #tpu.memory_space<vmem>>
    tpu.wait_dma2 semaphore(%arg9 : memref<!tpu.dma_semaphore, #tpu.memory_space<semaphore_mem>>) src(%dma_wait3A_787 : memref<128x128xf32, #tpu.memory_space<vmem>>) dst(%dma_wait3A_783 : memref<128x128xf32, #tpu.memory_space<hbm>>)
    %dma_wait3A_788 = arith.constant 1 : i32
    %dma_wait3A_789 = arith.constant 0 : i32
    %dma_wait3A_790 = arith.constant 0 : i32
    %dma_wait3A_791 = tpu.memref_slice %arg6[%dma_wait3A_788, %dma_wait3A_789, %dma_wait3A_790] : memref<2x128x128xf32, #tpu.memory_space<vmem>> -> memref<1x128x128xf32, #tpu.memory_space<vmem>>
    %dma_wait3A_792 = tpu.memref_squeeze %dma_wait3A_791 : memref<1x128x128xf32, #tpu.memory_space<vmem>> -> memref<128x128xf32, #tpu.memory_space<vmem>>
    %dma_wait3A_793 = arith.constant 0 : i32
    %dma_wait3A_794 = tpu.memref_slice %arg4[%select_n3A_741, %select_n3A_757, %dma_wait3A_793] : memref<64x512x128xf32, #tpu.memory_space<hbm>> -> memref<1x128x128xf32, #tpu.memory_space<hbm>>
    %dma_wait3A_795 = tpu.memref_squeeze %dma_wait3A_794 : memref<1x128x128xf32, #tpu.memory_space<hbm>> -> memref<128x128xf32, #tpu.memory_space<hbm>>
    %dma_wait3A_796 = arith.constant 0 : i32
    %dma_wait3A_797 = tpu.memref_slice %arg4[%select_n3A_741, %select_n3A_757, %dma_wait3A_796] : memref<64x512x128xf32, #tpu.memory_space<hbm>> -> memref<1x128x128xf32, #tpu.memory_space<hbm>>
    %dma_wait3A_798 = tpu.memref_squeeze %dma_wait3A_797 : memref<1x128x128xf32, #tpu.memory_space<hbm>> -> memref<128x128xf32, #tpu.memory_space<hbm>>
    %dma_wait3A_799 = arith.constant 0 : i32
    %dma_wait3A_800 = arith.constant 0 : i32
    %dma_wait3A_801 = tpu.memref_slice %arg6[%dma_wait3A_788, %dma_wait3A_799, %dma_wait3A_800] : memref<2x128x128xf32, #tpu.memory_space<vmem>> -> memref<1x128x128xf32, #tpu.memory_space<vmem>>
    %dma_wait3A_802 = tpu.memref_squeeze %dma_wait3A_801 : memref<1x128x128xf32, #tpu.memory_space<vmem>> -> memref<128x128xf32, #tpu.memory_space<vmem>>
    tpu.wait_dma2 semaphore(%arg10 : memref<!tpu.dma_semaphore, #tpu.memory_space<semaphore_mem>>) src(%dma_wait3A_802 : memref<128x128xf32, #tpu.memory_space<vmem>>) dst(%dma_wait3A_798 : memref<128x128xf32, #tpu.memory_space<hbm>>)
    return
  }
}

module attributes {stable_mosaic.version = 14 : i64} {
  func.func @_tc_body(%arg0: i32, %arg1: memref<4x512x128xf32, #tpu.memory_space<vmem>>, %arg2: memref<1x512x4xf32, #tpu.memory_space<vmem>>, %arg3: memref<512x384xf32, #tpu.memory_space<vmem>>, %arg4: memref<1x512xf32, #tpu.memory_space<vmem>>, %arg5: memref<512x512xf32, #tpu.memory_space<vmem>>, %arg6: memref<2x512xf32, #tpu.memory_space<vmem>>, %arg7: memref<1x512xf32, #tpu.memory_space<vmem>>, %arg8: memref<1x512xf32, #tpu.memory_space<vmem>>, %arg9: memref<4x512x512xf32, #tpu.memory_space<vmem>>) attributes {dimension_semantics = [#tpu.dimension_semantics<arbitrary>], iteration_bounds = array<i64: 16>, scalar_prefetch = 0 : i64, scratch_operands = 0 : i64, tpu.core_type = #tpu.core_type<tc>, window_params = [{transform_indices = @transform_0, window_bounds = array<i64: 4, 512, 128>}, {transform_indices = @transform_1, window_bounds = array<i64: 1, 512, 4>}, {pipeline_mode = #tpu.pipeline_mode<synchronous>, transform_indices = @transform_2, window_bounds = array<i64: 512, 384>}, {pipeline_mode = #tpu.pipeline_mode<synchronous>, transform_indices = @transform_3, window_bounds = array<i64: 1, 512>}, {pipeline_mode = #tpu.pipeline_mode<synchronous>, transform_indices = @transform_4, window_bounds = array<i64: 512, 512>}, {pipeline_mode = #tpu.pipeline_mode<synchronous>, transform_indices = @transform_5, window_bounds = array<i64: 2, 512>}, {pipeline_mode = #tpu.pipeline_mode<synchronous>, transform_indices = @transform_6, window_bounds = array<i64: 1, 512>}, {pipeline_mode = #tpu.pipeline_mode<synchronous>, transform_indices = @transform_7, window_bounds = array<i64: 1, 512>}, {transform_indices = @transform_8, window_bounds = array<i64: 4, 512, 512>}]} {
    %get3A = arith.constant 0 : index
    %get3A_0 = arith.constant 0 : index
    %get3A_1 = arith.constant 0 : index
    %get3A_2 = vector.load %arg1[%get3A, %get3A_0, %get3A_1] : memref<4x512x128xf32, #tpu.memory_space<vmem>>, vector<4x512x128xf32>
    %broadcast_in_dim3A = arith.constant 0.000000e+00 : f32
    %broadcast_in_dim3A_3 = vector.broadcast %broadcast_in_dim3A : f32 to vector<4x1x128xf32>
    %slice3A = vector.extract_strided_slice %get3A_2 {offsets = [0, 1, 0], sizes = [4, 511, 128], strides = [1, 1, 1]} : vector<4x512x128xf32> to vector<4x511x128xf32>
    %concatenate3A = tpu.concatenate %slice3A, %broadcast_in_dim3A_3 in 1 : vector<4x511x128xf32>, vector<4x1x128xf32> -> vector<4x512x128xf32>
    %slice3A_4 = vector.extract_strided_slice %get3A_2 {offsets = [0, 0, 0], sizes = [4, 511, 128], strides = [1, 1, 1]} : vector<4x512x128xf32> to vector<4x511x128xf32>
    %concatenate3A_5 = tpu.concatenate %broadcast_in_dim3A_3, %slice3A_4 in 1 : vector<4x1x128xf32>, vector<4x511x128xf32> -> vector<4x512x128xf32>
    %concatenate3A_6 = tpu.concatenate %concatenate3A, %get3A_2, %concatenate3A_5 in 2 : vector<4x512x128xf32>, vector<4x512x128xf32>, vector<4x512x128xf32> -> vector<4x512x384xf32>
    %reshape3A = vector.shape_cast %concatenate3A_6 : vector<4x512x384xf32> to vector<2048x384xf32>
    %get3A_7 = arith.constant 0 : index
    %get3A_8 = arith.constant 0 : index
    %get3A_9 = vector.load %arg3[%get3A_7, %get3A_8] : memref<512x384xf32, #tpu.memory_space<vmem>>, vector<512x384xf32>
    %dot_general3A = arith.constant dense<0.000000e+00> : vector<2048x512xf32>
    %dot_general3A_10 = tpu.matmul %reshape3A, %get3A_9, %dot_general3A {dimension_numbers = #tpu.dot_dimension_numbers<[1], [1], [0], [0], [0, 0, 1, 0], [], []>, transpose_lhs_hint = false} : vector<2048x384xf32>, vector<512x384xf32>, vector<2048x512xf32> -> vector<2048x512xf32>
    %reshape3A_11 = vector.shape_cast %dot_general3A_10 : vector<2048x512xf32> to vector<4x512x512xf32>
    %get3A_12 = arith.constant 0 : index
    %get3A_13 = arith.constant 0 : index
    %get3A_14 = vector.load %arg6[%get3A_12, %get3A_13] : memref<2x512xf32, #tpu.memory_space<vmem>>, vector<2x512xf32>
    %slice3A_15 = vector.extract_strided_slice %get3A_14 {offsets = [1, 0], sizes = [1, 512], strides = [1, 1]} : vector<2x512xf32> to vector<1x512xf32>
    %slice3A_16 = vector.extract_strided_slice %get3A_14 {offsets = [0, 0], sizes = [1, 512], strides = [1, 1]} : vector<2x512xf32> to vector<1x512xf32>
    %sub3A = arith.subf %slice3A_15, %slice3A_16 : vector<1x512xf32>
    %get3A_17 = arith.constant 0 : index
    %get3A_18 = arith.constant 0 : index
    %get3A_19 = vector.load %arg4[%get3A_17, %get3A_18] : memref<1x512xf32, #tpu.memory_space<vmem>>, vector<1x512xf32>
    %slice3A_20 = vector.extract_strided_slice %get3A_14 {offsets = [0, 0], sizes = [1, 512], strides = [1, 1]} : vector<2x512xf32> to vector<1x512xf32>
    %add3A = arith.addf %get3A_19, %slice3A_20 : vector<1x512xf32>
    %get3A_21 = arith.constant 0 : index
    %get3A_22 = arith.constant 0 : index
    %get3A_23 = vector.load %arg5[%get3A_21, %get3A_22] : memref<512x512xf32, #tpu.memory_space<vmem>>, vector<512x512xf32>
    %get3A_24 = arith.constant 0 : index
    %get3A_25 = arith.constant 0 : index
    %get3A_26 = vector.load %arg7[%get3A_24, %get3A_25] : memref<1x512xf32, #tpu.memory_space<vmem>>, vector<1x512xf32>
    %get3A_27 = arith.constant 0 : index
    %get3A_28 = arith.constant 0 : index
    %get3A_29 = vector.load %arg8[%get3A_27, %get3A_28] : memref<1x512xf32, #tpu.memory_space<vmem>>, vector<1x512xf32>
    %get3A_30 = arith.constant 0 : index
    %get3A_31 = arith.constant 0 : index
    %get3A_32 = arith.constant 0 : index
    %get3A_33 = vector.load %arg2[%get3A_30, %get3A_31, %get3A_32] : memref<1x512x4xf32, #tpu.memory_space<vmem>>, vector<1x512x4xf32>
    %get3A_34 = vector.shape_cast %get3A_33 : vector<1x512x4xf32> to vector<512x4xf32>
    %slice3A_35 = vector.extract_strided_slice %get3A_34 {offsets = [0, 0], sizes = [512, 1], strides = [1, 1]} : vector<512x4xf32> to vector<512x1xf32>
    %slice3A_36 = vector.extract_strided_slice %reshape3A_11 {offsets = [0, 0, 0], sizes = [1, 512, 512], strides = [1, 1, 1]} : vector<4x512x512xf32> to vector<1x512x512xf32>
    %squeeze3A = vector.shape_cast %slice3A_36 : vector<1x512x512xf32> to vector<512x512xf32>
    %add3A_37 = vector.broadcast %add3A : vector<1x512xf32> to vector<512x512xf32>
    %add3A_38 = arith.addf %squeeze3A, %add3A_37 : vector<512x512xf32>
    %add3A_39 = arith.addf %add3A_38, %get3A_23 : vector<512x512xf32>
    %mul3A = vector.broadcast %slice3A_35 : vector<512x1xf32> to vector<512x512xf32>
    %mul3A_40 = vector.broadcast %sub3A : vector<1x512xf32> to vector<512x512xf32>
    %mul3A_41 = arith.mulf %mul3A, %mul3A_40 : vector<512x512xf32>
    %add3A_42 = arith.addf %add3A_39, %mul3A_41 : vector<512x512xf32>
    %mul3A_43 = vector.broadcast %get3A_26 : vector<1x512xf32> to vector<512x512xf32>
    %mul3A_44 = arith.mulf %add3A_42, %mul3A_43 : vector<512x512xf32>
    %add3A_45 = vector.broadcast %get3A_29 : vector<1x512xf32> to vector<512x512xf32>
    %add3A_46 = arith.addf %mul3A_44, %add3A_45 : vector<512x512xf32>
    %swap3A = arith.constant 0 : index
    %swap3A_47 = arith.constant 0 : index
    %swap3A_48 = arith.constant 0 : index
    %swap3A_49 = vector.load %arg9[%swap3A, %swap3A_47, %swap3A_48] : memref<4x512x512xf32, #tpu.memory_space<vmem>>, vector<1x512x512xf32>
    %swap3A_50 = vector.shape_cast %swap3A_49 : vector<1x512x512xf32> to vector<512x512xf32>
    %swap3A_51 = vector.shape_cast %add3A_46 : vector<512x512xf32> to vector<1x512x512xf32>
    tpu.vector_store %arg9[%swap3A, %swap3A_47, %swap3A_48], %swap3A_51 {strides = array<i32>} : memref<4x512x512xf32, #tpu.memory_space<vmem>>, vector<1x512x512xf32>,
    %slice3A_52 = vector.extract_strided_slice %get3A_34 {offsets = [0, 1], sizes = [512, 1], strides = [1, 1]} : vector<512x4xf32> to vector<512x1xf32>
    %slice3A_53 = vector.extract_strided_slice %reshape3A_11 {offsets = [1, 0, 0], sizes = [1, 512, 512], strides = [1, 1, 1]} : vector<4x512x512xf32> to vector<1x512x512xf32>
    %squeeze3A_54 = vector.shape_cast %slice3A_53 : vector<1x512x512xf32> to vector<512x512xf32>
    %add3A_55 = vector.broadcast %add3A : vector<1x512xf32> to vector<512x512xf32>
    %add3A_56 = arith.addf %squeeze3A_54, %add3A_55 : vector<512x512xf32>
    %add3A_57 = arith.addf %add3A_56, %get3A_23 : vector<512x512xf32>
    %mul3A_58 = vector.broadcast %slice3A_52 : vector<512x1xf32> to vector<512x512xf32>
    %mul3A_59 = vector.broadcast %sub3A : vector<1x512xf32> to vector<512x512xf32>
    %mul3A_60 = arith.mulf %mul3A_58, %mul3A_59 : vector<512x512xf32>
    %add3A_61 = arith.addf %add3A_57, %mul3A_60 : vector<512x512xf32>
    %mul3A_62 = vector.broadcast %get3A_26 : vector<1x512xf32> to vector<512x512xf32>
    %mul3A_63 = arith.mulf %add3A_61, %mul3A_62 : vector<512x512xf32>
    %add3A_64 = vector.broadcast %get3A_29 : vector<1x512xf32> to vector<512x512xf32>
    %add3A_65 = arith.addf %mul3A_63, %add3A_64 : vector<512x512xf32>
    %swap3A_66 = arith.constant 1 : index
    %swap3A_67 = arith.constant 0 : index
    %swap3A_68 = arith.constant 0 : index
    %swap3A_69 = vector.load %arg9[%swap3A_66, %swap3A_67, %swap3A_68] : memref<4x512x512xf32, #tpu.memory_space<vmem>>, vector<1x512x512xf32>
    %swap3A_70 = vector.shape_cast %swap3A_69 : vector<1x512x512xf32> to vector<512x512xf32>
    %swap3A_71 = vector.shape_cast %add3A_65 : vector<512x512xf32> to vector<1x512x512xf32>
    tpu.vector_store %arg9[%swap3A_66, %swap3A_67, %swap3A_68], %swap3A_71 {strides = array<i32>} : memref<4x512x512xf32, #tpu.memory_space<vmem>>, vector<1x512x512xf32>,
    %slice3A_72 = vector.extract_strided_slice %get3A_34 {offsets = [0, 2], sizes = [512, 1], strides = [1, 1]} : vector<512x4xf32> to vector<512x1xf32>
    %slice3A_73 = vector.extract_strided_slice %reshape3A_11 {offsets = [2, 0, 0], sizes = [1, 512, 512], strides = [1, 1, 1]} : vector<4x512x512xf32> to vector<1x512x512xf32>
    %squeeze3A_74 = vector.shape_cast %slice3A_73 : vector<1x512x512xf32> to vector<512x512xf32>
    %add3A_75 = vector.broadcast %add3A : vector<1x512xf32> to vector<512x512xf32>
    %add3A_76 = arith.addf %squeeze3A_74, %add3A_75 : vector<512x512xf32>
    %add3A_77 = arith.addf %add3A_76, %get3A_23 : vector<512x512xf32>
    %mul3A_78 = vector.broadcast %slice3A_72 : vector<512x1xf32> to vector<512x512xf32>
    %mul3A_79 = vector.broadcast %sub3A : vector<1x512xf32> to vector<512x512xf32>
    %mul3A_80 = arith.mulf %mul3A_78, %mul3A_79 : vector<512x512xf32>
    %add3A_81 = arith.addf %add3A_77, %mul3A_80 : vector<512x512xf32>
    %mul3A_82 = vector.broadcast %get3A_26 : vector<1x512xf32> to vector<512x512xf32>
    %mul3A_83 = arith.mulf %add3A_81, %mul3A_82 : vector<512x512xf32>
    %add3A_84 = vector.broadcast %get3A_29 : vector<1x512xf32> to vector<512x512xf32>
    %add3A_85 = arith.addf %mul3A_83, %add3A_84 : vector<512x512xf32>
    %swap3A_86 = arith.constant 2 : index
    %swap3A_87 = arith.constant 0 : index
    %swap3A_88 = arith.constant 0 : index
    %swap3A_89 = vector.load %arg9[%swap3A_86, %swap3A_87, %swap3A_88] : memref<4x512x512xf32, #tpu.memory_space<vmem>>, vector<1x512x512xf32>
    %swap3A_90 = vector.shape_cast %swap3A_89 : vector<1x512x512xf32> to vector<512x512xf32>
    %swap3A_91 = vector.shape_cast %add3A_85 : vector<512x512xf32> to vector<1x512x512xf32>
    tpu.vector_store %arg9[%swap3A_86, %swap3A_87, %swap3A_88], %swap3A_91 {strides = array<i32>} : memref<4x512x512xf32, #tpu.memory_space<vmem>>, vector<1x512x512xf32>,
    %slice3A_92 = vector.extract_strided_slice %get3A_34 {offsets = [0, 3], sizes = [512, 1], strides = [1, 1]} : vector<512x4xf32> to vector<512x1xf32>
    %slice3A_93 = vector.extract_strided_slice %reshape3A_11 {offsets = [3, 0, 0], sizes = [1, 512, 512], strides = [1, 1, 1]} : vector<4x512x512xf32> to vector<1x512x512xf32>
    %squeeze3A_94 = vector.shape_cast %slice3A_93 : vector<1x512x512xf32> to vector<512x512xf32>
    %add3A_95 = vector.broadcast %add3A : vector<1x512xf32> to vector<512x512xf32>
    %add3A_96 = arith.addf %squeeze3A_94, %add3A_95 : vector<512x512xf32>
    %add3A_97 = arith.addf %add3A_96, %get3A_23 : vector<512x512xf32>
    %mul3A_98 = vector.broadcast %slice3A_92 : vector<512x1xf32> to vector<512x512xf32>
    %mul3A_99 = vector.broadcast %sub3A : vector<1x512xf32> to vector<512x512xf32>
    %mul3A_100 = arith.mulf %mul3A_98, %mul3A_99 : vector<512x512xf32>
    %add3A_101 = arith.addf %add3A_97, %mul3A_100 : vector<512x512xf32>
    %mul3A_102 = vector.broadcast %get3A_26 : vector<1x512xf32> to vector<512x512xf32>
    %mul3A_103 = arith.mulf %add3A_101, %mul3A_102 : vector<512x512xf32>
    %add3A_104 = vector.broadcast %get3A_29 : vector<1x512xf32> to vector<512x512xf32>
    %add3A_105 = arith.addf %mul3A_103, %add3A_104 : vector<512x512xf32>
    %swap3A_106 = arith.constant 3 : index
    %swap3A_107 = arith.constant 0 : index
    %swap3A_108 = arith.constant 0 : index
    %swap3A_109 = vector.load %arg9[%swap3A_106, %swap3A_107, %swap3A_108] : memref<4x512x512xf32, #tpu.memory_space<vmem>>, vector<1x512x512xf32>
    %swap3A_110 = vector.shape_cast %swap3A_109 : vector<1x512x512xf32> to vector<512x512xf32>
    %swap3A_111 = vector.shape_cast %add3A_105 : vector<512x512xf32> to vector<1x512x512xf32>
    tpu.vector_store %arg9[%swap3A_106, %swap3A_107, %swap3A_108], %swap3A_111 {strides = array<i32>} : memref<4x512x512xf32, #tpu.memory_space<vmem>>, vector<1x512x512xf32>,
    return
  }
  func.func @transform_0(%arg0: i32) -> (i32, i32, i32) {
    %c0_i32 = arith.constant 0 : i32
    %c0_i32_0 = arith.constant 0 : i32
    %c0_i32_1 = arith.constant 0 : i32
    return %arg0, %c0_i32, %c0_i32_0 : i32, i32, i32
  }
  func.func @transform_1(%arg0: i32) -> (i32, i32, i32) {
    %add3A = arith.constant 0 : i32
    %add3A_0 = arith.addi %add3A, %arg0 : i32
    %c0_i32 = arith.constant 0 : i32
    %c0_i32_1 = arith.constant 0 : i32
    %c0_i32_2 = arith.constant 0 : i32
    return %add3A_0, %c0_i32, %c0_i32_1 : i32, i32, i32
  }
  func.func @transform_2(%arg0: i32) -> (i32, i32) {
    %c0_i32 = arith.constant 0 : i32
    %c0_i32_0 = arith.constant 0 : i32
    %c0_i32_1 = arith.constant 0 : i32
    return %c0_i32, %c0_i32_0 : i32, i32
  }
  func.func @transform_3(%arg0: i32) -> (i32, i32) {
    %c0_i32 = arith.constant 0 : i32
    %c0_i32_0 = arith.constant 0 : i32
    %c0_i32_1 = arith.constant 0 : i32
    return %c0_i32, %c0_i32_0 : i32, i32
  }
  func.func @transform_4(%arg0: i32) -> (i32, i32) {
    %c0_i32 = arith.constant 0 : i32
    %c0_i32_0 = arith.constant 0 : i32
    %c0_i32_1 = arith.constant 0 : i32
    return %c0_i32, %c0_i32_0 : i32, i32
  }
  func.func @transform_5(%arg0: i32) -> (i32, i32) {
    %c0_i32 = arith.constant 0 : i32
    %c0_i32_0 = arith.constant 0 : i32
    %c0_i32_1 = arith.constant 0 : i32
    return %c0_i32, %c0_i32_0 : i32, i32
  }
  func.func @transform_6(%arg0: i32) -> (i32, i32) {
    %c0_i32 = arith.constant 0 : i32
    %c0_i32_0 = arith.constant 0 : i32
    %c0_i32_1 = arith.constant 0 : i32
    return %c0_i32, %c0_i32_0 : i32, i32
  }
  func.func @transform_7(%arg0: i32) -> (i32, i32) {
    %c0_i32 = arith.constant 0 : i32
    %c0_i32_0 = arith.constant 0 : i32
    %c0_i32_1 = arith.constant 0 : i32
    return %c0_i32, %c0_i32_0 : i32, i32
  }
  func.func @transform_8(%arg0: i32) -> (i32, i32, i32) {
    %add3A = arith.constant 0 : i32
    %add3A_0 = arith.addi %add3A, %arg0 : i32
    %c0_i32 = arith.constant 0 : i32
    %c0_i32_1 = arith.constant 0 : i32
    %c0_i32_2 = arith.constant 0 : i32
    return %add3A_0, %c0_i32, %c0_i32_1 : i32, i32, i32
  }
}

</mosaic_0001>

<sc_bundles>
// kernel: kernel.4.cloned.1.call-start
scs
__scs_entry_jumppad:
0x0: {  	(pc) =	sbr.rel $0x88, $3  }
0x1: {  	(tag) =	ssettag $0x0;
	lr =	simm.s32 $0x1  }
0x2: {  	[smem:$0x3F98] =	sst lr;
	_ =	strace $0xD0000000  }
0x3: {  	_ = 	snop  }
0x4: {  	_ = 	snop  }
0x5: {  	_ = 	snop  }
0x6: {  	_ = 	snop  }
0x7: {  	_ = 	snop  }
__scs_overlays_trampoline_lowered:
0x8: {  	[smem:$0x3FA7] =	sst s0  }
0x9: {  	[smem:$0x3FA8] =	sst s1  }
0xa: {  	[smem:$0x3FA9] =	sst s2  }
0xb: {  	[smem:$0x3FAA] =	sst s3  }
0xc: {  	[smem:$0x3FAB] =	sst s4  }
0xd: {  	[smem:$0x3FAC] =	sst s5  }
0xe: {  	[smem:$0x3FAD] =	sst s6  }
0xf: {  	[smem:$0x3FAE] =	sst s7  }
0x10: {  	[smem:$0x3FAF] =	sst s8  }
0x11: {  	[smem:$0x3FB0] =	sst s9;
	s0 =	simm.s32 @!p0 $0x0  }
0x12: {  	s1 =	sld [smem:$0x3F96];
	s0 =	simm.s32 @p0 $0x1  }
0x13: {  	[smem:$0x3FB1] =	sst s0;
	s0 =	simm.s32 @!p1 $0x0  }
0x14: {  	s2 =	sld [smem:$0x3F95];
	s0 =	simm.s32 @p1 $0x1  }
0x15: {  	[smem:$0x3FB2] =	sst s0;
	s0 =	simm.s32 @!p2 $0x0  }
0x16: {  	s3 =	sld [smem:$0x3FDB];
	s0 =	simm.s32 @p2 $0x1  }
0x17: {  	s4 =	simm.s32 $0x1BF5;
	[smem:$0x3FB4] =	sst s0  }
0x18: {  	s0 =	sld [smem:$0x3F97];
	_ =	swait.ge [sflag:s4], $0x0  }
0x19: {  	s7 =	sld [smem:$0x3F98]  }
0x1a: {  	s8 =	sadd.s32 $0xFFFFE003, lr  }
0x1b: {  	s9 =	sadd.s32 $0xFFFFFEF7, lr;
	s5 =	simm.s32 $0xFFFFFFFF;
	p2 =	slt.u32 s8, $0xFFFFF086  }
0x1c: {  	p1 =	slt.u32 s9, $0xF7A;
	s5 =	simm.s32 @!p2 $0x0  }
0x1d: {  	s5 =	simm.s32 @p1 $0x1;
	p0 =	seq.s32 s7, s2  }
0x1e: {  	s7 =	smul.u32 @!p0 $0xF7A, s2;
	p2 =	seq.s32 @!p0 s5, $0x0  }
0x1f: {  	s9 =	smul.u32 $0xF7A, s1;
	s8 =	simm.s32 @!p0 $0x1BF5;
	p2 =	por !p2, p0  }
0x20: {  	[sflag:s8] =	ssyncset.s32 @!p0 $0xFFFFF086;
	s6 =	sadd.s32 @!p0 s3, s7;
	s7 =	simm.s32 @!p0 $0x108  }
0x21: {  	s3 =	sadd.s32 s3, s9;
	s6 =	sadd.s32 @!p0 $0x88, s6;
	s7 =	simm.s32 @p2 $0x1082  }
0x22: {  	[simem:s7], [sflag:s8] =	dma.local @!p0 [hbm:s6], $0xF7A  }
0x23: {  	s9 =	sor.u32 $0xD0000000, s2;
	s6 =	simm.s32 $0x108;
	_ =	swait.ge @!p0 [sflag:s8], $0x0  }
0x24: {  	s3 =	sadd.s32 $0x88, s3;
	s6 =	simm.s32 @!p1 $0x1082;
	[sflag:s4] =	ssyncset.s32 $0xFFFFF086  }
0x25: {  	[simem:s6], [sflag:s4] =	dma.local [hbm:s3], $0xF7A  }
0x26: {  	[smem:$0x3F98] =	sst s1;
	(tag) =	ssettag s2;
	_ =	strace s9  }
0x27: {  	s1 =	sld [smem:$0x3FA8]  }
0x28: {  	s2 =	sld [smem:$0x3FA9]  }
0x29: {  	s4 =	sld [smem:$0x3FAB]  }
0x2a: {  	p0 =	seq.s32 s5, $0x0;
	s5 =	sld [smem:$0x3FAC]  }
0x2b: {  	s6 =	sld [smem:$0x3FAD]  }
0x2c: {  	s7 =	sld [smem:$0x3FAE]  }
0x2d: {  	s3 =	simm.s32 $0x108;
	s8 =	sld [smem:$0x3FAF]  }
0x2e: {  	s3 =	simm.s32 @!p0 $0x1082;
	s9 =	sld [smem:$0x3FB0]  }
0x2f: {  	lr =	sadd.s32 s0, s3;
	s0 =	sld [smem:$0x3FA7]  }
0x30: {  	s3 =	sld [smem:$0x3FAA]  }
0x31: {  	[smem:$0x3FB3] =	sst s10  }
0x32: {  	s10 =	sld [smem:$0x3FB1];
	_ =	sdelay $0x3  }
0x33: {  	p0 =	seq.s32 s10, $0x1;
	s10 =	sld [smem:$0x3FB3];
	_ =	sdelay $0x3  }
0x34: {  	[smem:$0x3FB3] =	sst s10  }
0x35: {  	s10 =	sld [smem:$0x3FB2];
	_ =	sdelay $0x3  }
0x36: {  	p1 =	seq.s32 s10, $0x1;
	s10 =	sld [smem:$0x3FB3];
	_ =	sdelay $0x3  }
0x37: {  	[smem:$0x3FB3] =	sst s10  }
0x38: {  	s10 =	sld [smem:$0x3FB4]  }
0x39: {  	_ = 	snop;
	(pc) =	sbr.ind lr, $3  }
0x3a: {  	_ = 	snop  }
0x3b: {  	_ = 	snop  }
0x3c: {  	p2 =	seq.s32 s10, $0x1;
	s10 =	sld [smem:$0x3FB3]  }
0x3d: {  	_ =	shalt  }
0x3e: {  	_ =	shalt  }
0x3f: {  	_ =	shalt  }
0x40: {  	_ =	shalt  }
0x41: {  	_ =	shalt  }
0x42: {  	_ =	shalt  }
0x43: {  	_ =	shalt  }
0x44: {  	_ =	shalt  }
0x45: {  	_ =	shalt  }
0x46: {  	_ =	shalt  }
0x47: {  	_ =	shalt  }
0x48: {  	_ =	shalt  }
0x49: {  	_ =	shalt  }
0x4a: {  	_ =	shalt  }
0x4b: {  	_ =	shalt  }
0x4c: {  	_ =	shalt  }
0x4d: {  	_ =	shalt  }
0x4e: {  	_ =	shalt  }
0x4f: {  	_ =	shalt  }
0x50: {  	_ =	shalt  }
0x51: {  	_ =	shalt  }
0x52: {  	_ =	shalt  }
0x53: {  	_ =	shalt  }
0x54: {  	_ =	shalt  }
0x55: {  	_ =	shalt  }
0x56: {  	_ =	shalt  }
0x57: {  	_ =	shalt  }
0x58: {  	_ =	shalt  }
0x59: {  	_ =	shalt  }
0x5a: {  	_ =	shalt  }
0x5b: {  	_ =	shalt  }
0x5c: {  	_ =	shalt  }
0x5d: {  	_ =	shalt  }
0x5e: {  	_ =	shalt  }
0x5f: {  	_ =	shalt  }
0x60: {  	_ =	shalt  }
0x61: {  	_ =	shalt  }
0x62: {  	_ =	shalt  }
0x63: {  	_ =	shalt  }
0x64: {  	_ =	shalt  }
0x65: {  	_ =	shalt  }
0x66: {  	_ =	shalt  }
0x67: {  	_ =	shalt  }
0x68: {  	_ =	shalt  }
0x69: {  	_ =	shalt  }
0x6a: {  	_ =	shalt  }
0x6b: {  	_ =	shalt  }
0x6c: {  	_ =	shalt  }
0x6d: {  	_ =	shalt  }
0x6e: {  	_ =	shalt  }
0x6f: {  	_ =	shalt  }
0x70: {  	_ =	shalt  }
0x71: {  	_ =	shalt  }
0x72: {  	_ =	shalt  }
0x73: {  	_ =	shalt  }
0x74: {  	_ =	shalt  }
0x75: {  	_ =	shalt  }
0x76: {  	_ =	shalt  }
0x77: {  	_ =	shalt  }
0x78: {  	_ =	shalt  }
0x79: {  	_ =	shalt  }
0x7a: {  	_ =	shalt  }
0x7b: {  	_ =	shalt  }
0x7c: {  	_ =	shalt  }
0x7d: {  	_ =	shalt  }
0x7e: {  	_ =	shalt  }
0x7f: {  	_ =	shalt  }
0x80: {  	_ =	shalt  }
0x81: {  	_ =	shalt  }
0x82: {  	_ =	shalt  }
0x83: {  	_ =	shalt  }
0x84: {  	_ =	shalt  }
0x85: {  	_ =	shalt  }
0x86: {  	_ =	shalt  }
0x87: {  	_ =	shalt  }
.Lfunc_end0:
.L_simem_size_0:
called_computation_lowered:
.L_overlay_start_0:
0x88: {  	s2 =	sld [smem:$0x3FD9]  }
0x89: {  	s3 =	sld [smem:$0x3FFE];
	_ =	sdelay $0x1  }
0x8a: {  	s1 =	srdreg.scid  }
0x8b: {  	s0 =	sand.u32 $0x1, s1  }
0x8c: {  	s18 =	sshll.u32 s0, $0xA;
	s2 =	sadd.s32 s3, s2  }
0x8d: {  	s2 =	sadd.s32 s2, s18  }
0x8e: {  	[smem:$0x3FBF] =	sst s2  }
0x8f: {  	_ = 	snop  }
0x90: {  	s2 =	sld [smem:$0x3FC9]  }
0x91: {  	s19 =	sld [smem:$0x3FC7]  }
0x92: {  	s4 =	sld [smem:$0x3FD0];
	(tm) =	ssettm $0x1  }
0x93: {  	s5 =	sld [smem:$0x3FFB];
	_ =	sdelay $0x3  }
0x94: {  	_ =	strace s5  }
0x95: {  	s5 =	sld [smem:$0x3FFC];
	_ =	sdelay $0x3  }
0x96: {  	_ =	strace s5  }
0x97: {  	s5 =	sld [smem:$0x3FFD];
	_ =	sdelay $0x3  }
0x98: {  	_ =	strace s5  }
0x99: {  	_ =	strace $0x8FFFFFFF  }
0x9a: {  	s20 =	sld [smem:$0x3FDB];
	_ =	sdelay $0x1  }
0x9b: {  	s6 =	simm.s32 $_scs_section_size  }
0x9c: {  	s7 =	simm.s32 $_size__tile_overlayer_lowered;
	s8 =	simm.s32 $_tile_overlayer_lowered  }
0x9d: {  	s23 =	simm.s32 $0x1BFF;
	s22 =	sshll.u32 s8, $0x1;
	s5 =	sadd.s32 s6, s20  }
0x9e: {  	s9 =	simm.s32 $0x0;
	s21 =	sshll.u32 s7, $0x1;
	s7 =	sadd.s32 s22, s5  }
0x9f: {  	[timem:s9], [sflag:s23] =	dma.local [hbm:s7], s21  }
0xa0: {  	_ =	swait.ge [sflag:s23], s21  }
0xa1: {  	s6 =	ssub.s32 $0x0, s21;
	[sflag:s23] =	ssyncset.done $0x0  }
0xa2: {  	[sflag:s23] =	ssyncadd.s32 s6;
	_ =	sdelay $0x1  }
0xa3: {  	s24 =	simm.s32 $0x1B8B  }
0xa4: {  	_ =	swait.ge [sflag:s24], $0x1  }
0xa5: {  	[sflag:s24] =	ssyncset.done $0x0  }
0xa6: {  	s25 =	simm.s32 $0x1B8E;
	[sflag:s24] =	ssyncadd.s32 $0xFFFFFFFF  }
0xa7: {  	s26 =	simm.s32 $execute0_lowered;
	[smem:$0x3FD2] =	sst s25  }
0xa8: {  	s6 =	sshll.u32 s26, $0x1;
	_ =	strace $0x80000046;
	[dreg:$0x1] =	wrdreg $0xFFFFFFFF  }
0xa9: {  	s28 =	simm.s32 $_size_execute0_lowered;
	s5 =	sadd.s32 s5, s6;
	[dreg:$0x0] =	wrdreg $0x0  }
0xaa: {  	s6 =	sshll.u32 s28, $0x1;
	[dreg:$0x2] =	wrdreg s5  }
0xab: {  	[dreg:$0x3] =	wrdreg s6  }
0xac: {  	[dreg:$0x4] =	wrdreg $0xC0  }
0xad: {  	_ =	task [dreg:s9], $0x5FFFF  }
0xae: {  	[dreg:$0x1] =	wrdreg $0xFFFFFFFF  }
0xaf: {  	[dreg:$0x0] =	wrdreg $0x60  }
0xb0: {  	[dreg:$0x2] =	wrdreg s19  }
0xb1: {  	[dreg:$0x3] =	wrdreg s2  }
0xb2: {  	[dreg:$0x4] =	wrdreg s4  }
0xb3: {  	[dreg:$0x5] =	wrdreg $0x9  }
0xb4: {  	_ =	task.clear_ibuf [dreg:s9], $0x6FFFF;
	_ =	strace $0x90000046  }
0xb5: {  	s29 =	simm.s32 $0x9;
	_ =	strace $0x80000048  }
0xb6: {  	_ =	swait.ge [sflag:s29], $0x1  }
0xb7: {  	[sflag:s29] =	ssyncadd.s32 $0xFFFFFFFF  }
0xb8: {  	_ =	strace $0x90000048  }
0xb9: {  	_ =	sfence  }
0xba: {  	s30 =	sld [smem:$0x0];
	_ =	sdelay $0x2  }
0xbb: {  	s31 =	sshll.u32 s1, $0xD;
	s1 =	sshrl.u32 s1, $0x2  }
0xbc: {  	s3 =	sand.u32 $0x4000, s31;
	s1 =	sadd.s32 s1, s30  }
0xbd: {  	s0 =	sor.u32 s3, s0;
	s1 =	sshll.u32 s1, $0x11  }
0xbe: {  	s0 =	sor.u32 s1, s0  }
0xbf: {  	s0 =	sadd.s32 $0x8F2B, s0  }
0xc0: {  	[sflag:s0] =	ssyncadd.remote.s32 $0x1  }
0xc1: {  	_ =	sfence.sel $0xFFFF  }
0xc2: {  	[dreg:$0x0] =	wrdreg $0xFFFFFFFF;
	(pc) =	sbr.abs _section_cstart, $3  }
0xc3: {  	[dreg:$0x1] =	wrdreg $0xFFFFFFFF  }
0xc4: {  	_ =	task.clear_ibuf [dreg:s9], $0x2FFFF;
	_ =	strace $0x9FFFFFFF  }
0xc5: {  	(tm) =	ssettm $0x7FFFFFFF  }
tec
execute0_lowered:
.L_overlay_start_1:
0x0: {  	(tag) =	ssettag $0x1  }
0x1: {  	s2 =	rddreg [dreg:$0x0]  }
0x2: {  	s4 =	rddreg [dreg:$0x1];
	s0 =	srdreg.scid  }
0x3: {  	s12 =	rddreg [dreg:$0x2];
	s1 =	stileid.u32;
	s26 =	sand.u32 $0x1, s0  }
0x4: {  	s3 =	simm.s32 $0x0;
	s5 =	sshll.u32 s1, $0xB;
	s6 =	sshll.u32 s26, $0xA  }
0x5: {  	s0 =	rddreg [dreg:$0x3];
	s31 =	sshll.u32 s1, $0x8;
	s11 =	sor.u32 s6, s5  }
0x6: {  	[smem:$0x7FF] =	sst s3;
	s5 =	sand.u32 $0xE00, s31;
	s6 =	sshrl.u32 s11, $0x5  }
0x7: {  	_ =	strace $0x80000047;
	s4 =	sadd.s32 s4, s5;
	s6 =	sand.u32 $0x60, s6  }
0x8: {  	s5 =	simm.s32 $0x80;
	s4 =	sadd.s32 s6, s4;
	s6 =	simm.s32 $0x400  }
0x9: {  	[tilespmem:s3], [sflag:$0x1] =	stream.strided.gather [hbm4b:s4+s5], $0x200, s6, s5, $0x38;
	[tilespmem:$0x8400] =	vst v63  }
0xa: {  	s8 =	simm.s32 $0x200;
	s9 =	simm.s32 $0x1;
	s7 =	sadd.s32 $0x10, s4  }
0xb: {  	[tilespmem:s8], [sflag:$0x1] =	stream.strided.gather [hbm4b:s7+s5], $0x200, s6, s5, $0x38;
	[tilespmem:$0x8400] =	vst v63  }
0xc: {  	_ =	swait.ge [sflag:s9], $0x200  }
0xd: {  	[sflag:s9] =	ssyncset.done $0x0  }
0xe: {  	[sflag:s9] =	ssyncadd.s32 $0xFFFFFE00  }
0xf: {  	_ =	swait.ge [sflag:s9], $0x200  }
0x10: {  	[sflag:s9] =	ssyncset.done $0x0  }
0x11: {  	s10 =	simm.s32 $0x2;
	[sflag:s9] =	ssyncadd.s32 $0xFFFFFE00  }
0x12: {  	[tilespmem:s6], [sflag:$0x2] =	stream.indirect.gather [hbm4b:s2+s5], $0x80, s3, s5, $0xb8;
	[tilespmem:$0x8400] =	vst v63  }
0x13: {  	_ =	swait.ge [sflag:s10], $0x4000  }
0x14: {  	[sflag:s10] =	ssyncset.done $0x0  }
0x15: {  	s13 =	sshll.u32 s11, $0x4;
	s11 =	simm.s32 $0x4400;
	[sflag:s10] =	ssyncadd.s32 $0xFFFFC000  }
0x16: {  	[tilespmem:s11], [sflag:$0x2] =	stream.indirect.gather [hbm4b:s2+s5], $0x80, s5, s5, $0xb8;
	[tilespmem:$0x8400] =	vst v63  }
0x17: {  	s12 =	sadd.s32 s12, s13  }
0x18: {  	[hbm4b:s12+s3] =	stream.linear.scatter [tilespmem:s6], [sflag:$0x3], $0x4000, $0x38;
	[tilespmem:$0x8400] =	vst v63  }
0x19: {  	_ =	swait.ge [sflag:s10], $0x4000  }
0x1a: {  	[sflag:s10] =	ssyncset.done $0x0  }
0x1b: {  	s13 =	simm.s32 $0x3;
	[sflag:s10] =	ssyncadd.s32 $0xFFFFC000  }
0x1c: {  	_ =	swait.ge [sflag:s13], $0x4000  }
0x1d: {  	[sflag:s13] =	ssyncset.done $0x0  }
0x1e: {  	s14 =	simm.s32 $0x100;
	[sflag:s13] =	ssyncadd.s32 $0xFFFFC000  }
0x1f: {  	[tilespmem:s6], [sflag:$0x2] =	stream.indirect.gather [hbm4b:s2+s5], $0x80, s14, s5, $0xb8;
	[tilespmem:$0x8400] =	vst v63  }
0x20: {  	s15 =	sadd.s32 $0x800, s12  }
0x21: {  	[hbm4b:s15+s3] =	stream.linear.scatter [tilespmem:s11], [sflag:$0x4], $0x4000, $0x38;
	[tilespmem:$0x8400] =	vst v63  }
0x22: {  	_ =	swait.ge [sflag:s10], $0x4000  }
0x23: {  	[sflag:s10] =	ssyncset.done $0x0  }
0x24: {  	s16 =	simm.s32 $0x4;
	[sflag:s10] =	ssyncadd.s32 $0xFFFFC000  }
0x25: {  	_ =	swait.ge [sflag:s16], $0x4000  }
0x26: {  	[sflag:s16] =	ssyncset.done $0x0  }
0x27: {  	s17 =	simm.s32 $0x180;
	[sflag:s16] =	ssyncadd.s32 $0xFFFFC000  }
0x28: {  	[tilespmem:s11], [sflag:$0x2] =	stream.indirect.gather [hbm4b:s2+s5], $0x80, s17, s5, $0xb8;
	[tilespmem:$0x8400] =	vst v63  }
0x29: {  	s18 =	sadd.s32 $0x1000, s12  }
0x2a: {  	[hbm4b:s18+s3] =	stream.linear.scatter [tilespmem:s6], [sflag:$0x3], $0x4000, $0x38;
	[tilespmem:$0x8400] =	vst v63  }
0x2b: {  	_ =	swait.ge [sflag:s10], $0x4000  }
0x2c: {  	[sflag:s10] =	ssyncset.done $0x0  }
0x2d: {  	[sflag:s10] =	ssyncadd.s32 $0xFFFFC000  }
0x2e: {  	_ =	swait.ge [sflag:s13], $0x4000  }
0x2f: {  	[sflag:s13] =	ssyncset.done $0x0  }
0x30: {  	[sflag:s13] =	ssyncadd.s32 $0xFFFFC000  }
0x31: {  	[tilespmem:s6], [sflag:$0x2] =	stream.indirect.gather [hbm4b:s2+s5], $0x80, s8, s5, $0xb8;
	[tilespmem:$0x8400] =	vst v63  }
0x32: {  	s19 =	sadd.s32 $0x1800, s12  }
0x33: {  	[hbm4b:s19+s3] =	stream.linear.scatter [tilespmem:s11], [sflag:$0x4], $0x4000, $0x38;
	[tilespmem:$0x8400] =	vst v63  }
0x34: {  	_ =	swait.ge [sflag:s10], $0x4000  }
0x35: {  	[sflag:s10] =	ssyncset.done $0x0  }
0x36: {  	[sflag:s10] =	ssyncadd.s32 $0xFFFFC000  }
0x37: {  	_ =	swait.ge [sflag:s16], $0x4000  }
0x38: {  	[sflag:s16] =	ssyncset.done $0x0  }
0x39: {  	s20 =	simm.s32 $0x280;
	[sflag:s16] =	ssyncadd.s32 $0xFFFFC000  }
0x3a: {  	[tilespmem:s11], [sflag:$0x2] =	stream.indirect.gather [hbm4b:s2+s5], $0x80, s20, s5, $0xb8;
	[tilespmem:$0x8400] =	vst v63  }
0x3b: {  	s21 =	sadd.s32 $0x2000, s12  }
0x3c: {  	[hbm4b:s21+s3] =	stream.linear.scatter [tilespmem:s6], [sflag:$0x3], $0x4000, $0x38;
	[tilespmem:$0x8400] =	vst v63  }
0x3d: {  	_ =	swait.ge [sflag:s10], $0x4000  }
0x3e: {  	[sflag:s10] =	ssyncset.done $0x0  }
0x3f: {  	[sflag:s10] =	ssyncadd.s32 $0xFFFFC000  }
0x40: {  	_ =	swait.ge [sflag:s13], $0x4000  }
0x41: {  	[sflag:s13] =	ssyncset.done $0x0  }
0x42: {  	s22 =	simm.s32 $0x300;
	[sflag:s13] =	ssyncadd.s32 $0xFFFFC000  }
0x43: {  	[tilespmem:s6], [sflag:$0x2] =	stream.indirect.gather [hbm4b:s2+s5], $0x80, s22, s5, $0xb8;
	[tilespmem:$0x8400] =	vst v63  }
0x44: {  	s23 =	sadd.s32 $0x2800, s12  }
0x45: {  	[hbm4b:s23+s3] =	stream.linear.scatter [tilespmem:s11], [sflag:$0x4], $0x4000, $0x38;
	[tilespmem:$0x8400] =	vst v63  }
0x46: {  	_ =	swait.ge [sflag:s10], $0x4000  }
0x47: {  	[sflag:s10] =	ssyncset.done $0x0  }
0x48: {  	[sflag:s10] =	ssyncadd.s32 $0xFFFFC000  }
0x49: {  	_ =	swait.ge [sflag:s16], $0x4000  }
0x4a: {  	[sflag:s16] =	ssyncset.done $0x0  }
0x4b: {  	s24 =	simm.s32 $0x380;
	s28 =	ssub.s32 $0x2, s26;
	[sflag:s16] =	ssyncadd.s32 $0xFFFFC000  }
0x4c: {  	[tilespmem:s11], [sflag:$0x2] =	stream.indirect.gather [hbm4b:s2+s5], $0x80, s24, s5, $0xb8;
	[tilespmem:$0x8400] =	vst v63  }
0x4d: {  	s29 =	sshrl.u32 s28, $0x1;
	s25 =	sadd.s32 $0x3000, s12  }
0x4e: {  	[hbm4b:s25+s3] =	stream.linear.scatter [tilespmem:s6], [sflag:$0x3], $0x4000, $0x38;
	[tilespmem:$0x8400] =	vst v63  }
0x4f: {  	s28 =	ssub.s32 s28, s29;
	_ =	swait.ge [sflag:s10], $0x4000  }
0x50: {  	s28 =	smax.u32 s28, $0x1;
	[sflag:s10] =	ssyncset.done $0x0  }
0x51: {  	s26 =	sadd.s32 $0x3800, s12;
	p0 =	sne.s32 s28, $0x1;
	[sflag:s10] =	ssyncadd.s32 $0xFFFFC000  }
0x52: {  	[hbm4b:s26+s3] =	stream.linear.scatter [tilespmem:s11], [sflag:$0x4], $0x4000, $0x38;
	[tilespmem:$0x8400] =	vst v63  }
.Ltmp0:
0x53: {  	_ =	swait.ge [sflag:s13], $0x4000;
	(pc) =	sbr.rel @!p0 .LBB2_2-.Ltmp0, $4  }
0x54: {  	[sflag:s13] =	ssyncset.done $0x0  }
0x55: {  	[sflag:s13] =	ssyncadd.s32 $0xFFFFC000  }
0x56: {  	_ =	swait.ge [sflag:s16], $0x4000  }
0x57: {  	s28 =	sadd.s32 $0xFFFFFFFF, s28;
	[sflag:s16] =	ssyncset.done $0x0  }
.LBB2_1:
0x58: {  	p0 =	sne.s32 s28, $0x1;
	s28 =	sadd.s32 $0xFFFFFFFF, s28;
	[sflag:s16] =	ssyncadd.s32 $0xFFFFC000  }
0x59: {  	[tilespmem:s3], [sflag:$0x1] =	stream.strided.gather [hbm4b:s4+s5], $0x200, s6, s5, $0x38;
	[tilespmem:$0x8400] =	vst v63  }
0x5a: {  	_ = 	snop  }
0x5b: {  	[tilespmem:s8], [sflag:$0x1] =	stream.strided.gather [hbm4b:s7+s5], $0x200, s6, s5, $0x38;
	[tilespmem:$0x8400] =	vst v63  }
0x5c: {  	_ =	swait.ge [sflag:s9], $0x200  }
0x5d: {  	[sflag:s9] =	ssyncset.done $0x0  }
0x5e: {  	[sflag:s9] =	ssyncadd.s32 $0xFFFFFE00  }
0x5f: {  	_ =	swait.ge [sflag:s9], $0x200  }
0x60: {  	[sflag:s9] =	ssyncset.done $0x0  }
0x61: {  	[sflag:s9] =	ssyncadd.s32 $0xFFFFFE00  }
0x62: {  	[tilespmem:s6], [sflag:$0x2] =	stream.indirect.gather [hbm4b:s2+s5], $0x80, s3, s5, $0xb8;
	[tilespmem:$0x8400] =	vst v63  }
0x63: {  	_ =	swait.ge [sflag:s10], $0x4000  }
0x64: {  	[sflag:s10] =	ssyncset.done $0x0  }
0x65: {  	[sflag:s10] =	ssyncadd.s32 $0xFFFFC000  }
0x66: {  	[tilespmem:s11], [sflag:$0x2] =	stream.indirect.gather [hbm4b:s2+s5], $0x80, s5, s5, $0xb8;
	[tilespmem:$0x8400] =	vst v63  }
0x67: {  	_ = 	snop  }
0x68: {  	[hbm4b:s12+s3] =	stream.linear.scatter [tilespmem:s6], [sflag:$0x3], $0x4000, $0x38;
	[tilespmem:$0x8400] =	vst v63  }
0x69: {  	_ =	swait.ge [sflag:s10], $0x4000  }
0x6a: {  	[sflag:s10] =	ssyncset.done $0x0  }
0x6b: {  	[sflag:s10] =	ssyncadd.s32 $0xFFFFC000  }
0x6c: {  	_ =	swait.ge [sflag:s13], $0x4000  }
0x6d: {  	[sflag:s13] =	ssyncset.done $0x0  }
0x6e: {  	[sflag:s13] =	ssyncadd.s32 $0xFFFFC000  }
0x6f: {  	[tilespmem:s6], [sflag:$0x2] =	stream.indirect.gather [hbm4b:s2+s5], $0x80, s14, s5, $0xb8;
	[tilespmem:$0x8400] =	vst v63  }
0x70: {  	_ = 	snop  }
0x71: {  	[hbm4b:s15+s3] =	stream.linear.scatter [tilespmem:s11], [sflag:$0x4], $0x4000, $0x38;
	[tilespmem:$0x8400] =	vst v63  }
0x72: {  	_ =	swait.ge [sflag:s10], $0x4000  }
0x73: {  	[sflag:s10] =	ssyncset.done $0x0  }
0x74: {  	[sflag:s10] =	ssyncadd.s32 $0xFFFFC000  }
0x75: {  	_ =	swait.ge [sflag:s16], $0x4000  }
0x76: {  	[sflag:s16] =	ssyncset.done $0x0  }
0x77: {  	[sflag:s16] =	ssyncadd.s32 $0xFFFFC000  }
0x78: {  	[tilespmem:s11], [sflag:$0x2] =	stream.indirect.gather [hbm4b:s2+s5], $0x80, s17, s5, $0xb8;
	[tilespmem:$0x8400] =	vst v63  }
0x79: {  	_ = 	snop  }
0x7a: {  	[hbm4b:s18+s3] =	stream.linear.scatter [tilespmem:s6], [sflag:$0x3], $0x4000, $0x38;
	[tilespmem:$0x8400] =	vst v63  }
0x7b: {  	_ =	swait.ge [sflag:s10], $0x4000  }
0x7c: {  	[sflag:s10] =	ssyncset.done $0x0  }
0x7d: {  	[sflag:s10] =	ssyncadd.s32 $0xFFFFC000  }
0x7e: {  	_ =	swait.ge [sflag:s13], $0x4000  }
0x7f: {  	[sflag:s13] =	ssyncset.done $0x0  }
0x80: {  	[sflag:s13] =	ssyncadd.s32 $0xFFFFC000  }
0x81: {  	[tilespmem:s6], [sflag:$0x2] =	stream.indirect.gather [hbm4b:s2+s5], $0x80, s8, s5, $0xb8;
	[tilespmem:$0x8400] =	vst v63  }
0x82: {  	_ = 	snop  }
0x83: {  	[hbm4b:s19+s3] =	stream.linear.scatter [tilespmem:s11], [sflag:$0x4], $0x4000, $0x38;
	[tilespmem:$0x8400] =	vst v63  }
0x84: {  	_ =	swait.ge [sflag:s10], $0x4000  }
0x85: {  	[sflag:s10] =	ssyncset.done $0x0  }
0x86: {  	[sflag:s10] =	ssyncadd.s32 $0xFFFFC000  }
0x87: {  	_ =	swait.ge [sflag:s16], $0x4000  }
0x88: {  	[sflag:s16] =	ssyncset.done $0x0  }
0x89: {  	[sflag:s16] =	ssyncadd.s32 $0xFFFFC000  }
0x8a: {  	[tilespmem:s11], [sflag:$0x2] =	stream.indirect.gather [hbm4b:s2+s5], $0x80, s20, s5, $0xb8;
	[tilespmem:$0x8400] =	vst v63  }
0x8b: {  	_ = 	snop  }
0x8c: {  	[hbm4b:s21+s3] =	stream.linear.scatter [tilespmem:s6], [sflag:$0x3], $0x4000, $0x38;
	[tilespmem:$0x8400] =	vst v63  }
0x8d: {  	_ =	swait.ge [sflag:s10], $0x4000  }
0x8e: {  	[sflag:s10] =	ssyncset.done $0x0  }
0x8f: {  	[sflag:s10] =	ssyncadd.s32 $0xFFFFC000  }
0x90: {  	_ =	swait.ge [sflag:s13], $0x4000  }
0x91: {  	[sflag:s13] =	ssyncset.done $0x0  }
0x92: {  	[sflag:s13] =	ssyncadd.s32 $0xFFFFC000  }
0x93: {  	[tilespmem:s6], [sflag:$0x2] =	stream.indirect.gather [hbm4b:s2+s5], $0x80, s22, s5, $0xb8;
	[tilespmem:$0x8400] =	vst v63  }
0x94: {  	_ = 	snop  }
0x95: {  	[hbm4b:s23+s3] =	stream.linear.scatter [tilespmem:s11], [sflag:$0x4], $0x4000, $0x38;
	[tilespmem:$0x8400] =	vst v63  }
0x96: {  	_ =	swait.ge [sflag:s10], $0x4000  }
0x97: {  	[sflag:s10] =	ssyncset.done $0x0  }
0x98: {  	[sflag:s10] =	ssyncadd.s32 $0xFFFFC000  }
0x99: {  	_ =	swait.ge [sflag:s16], $0x4000  }
0x9a: {  	[sflag:s16] =	ssyncset.done $0x0  }
0x9b: {  	[sflag:s16] =	ssyncadd.s32 $0xFFFFC000  }
0x9c: {  	[tilespmem:s11], [sflag:$0x2] =	stream.indirect.gather [hbm4b:s2+s5], $0x80, s24, s5, $0xb8;
	[tilespmem:$0x8400] =	vst v63  }
0x9d: {  	_ = 	snop  }
0x9e: {  	[hbm4b:s25+s3] =	stream.linear.scatter [tilespmem:s6], [sflag:$0x3], $0x4000, $0x38;
	[tilespmem:$0x8400] =	vst v63  }
0x9f: {  	_ =	swait.ge [sflag:s10], $0x4000  }
0xa0: {  	[sflag:s10] =	ssyncset.done $0x0  }
0xa1: {  	[sflag:s10] =	ssyncadd.s32 $0xFFFFC000  }
0xa2: {  	[hbm4b:s26+s3] =	stream.linear.scatter [tilespmem:s11], [sflag:$0x4], $0x4000, $0x38;
	[tilespmem:$0x8400] =	vst v63  }
.Ltmp1:
0xa3: {  	_ =	swait.ge [sflag:s13], $0x4000;
	(pc) =	sbr.rel @p0 .LBB2_1-.Ltmp1, $4  }
0xa4: {  	[sflag:s13] =	ssyncset.done $0x0  }
0xa5: {  	[sflag:s13] =	ssyncadd.s32 $0xFFFFC000  }
0xa6: {  	_ =	swait.ge [sflag:s16], $0x4000  }
0xa7: {  	[sflag:s16] =	ssyncset.done $0x0  }
.LBB2_2:
0xa8: {  	[sflag:s16] =	ssyncadd.s32 $0xFFFFC000  }
0xa9: {  	_ =	sfence.sel $0x180000  }
0xaa: {  	[bflag:$0x0] =	sbarrier.arrive $0xFFFF  }
0xab: {  	p0 =	sne.s32 s1, $0x0;
	_ =	strace $0x90000047  }
0xac: {  	s0 =	sadd.s32 @!p0 $0x100000, s0;
	[bflag:$0x2] =	sbarrier.arrive $0xFFFF  }
0xad: {  	[sflag:s0] =	ssyncadd.tile.s32 @!p0 $0x1;
	_ =	shalt  }
.Lfunc_end2:
_tile_overlayer_lowered:
.L_overlay_start_2:
0xae: {  	(tag) =	ssettag $0x2  }
0xaf: {  	s0 =	rddreg [dreg:$0x0];
	s2 =	stileid.u32  }
0xb0: {  	s1 =	rddreg [dreg:$0x1];
	p0 =	sne.s32 s2, $0x0  }
0xb1: {  	s3 =	rddreg [dreg:$0x2];
	[bflag:$0x3] =	sbarrier.arrive $0xFFFF;
	s2 =	simm.s32 @!p0 $0x1C05  }
0xb2: {  	[timem:s3], [sflag:s2] =	dma.local @!p0 [hbm:s0], s1  }
0xb3: {  	s0 =	simm.s32 @!p0 $0x5  }
0xb4: {  	_ =	swait.ge @!p0 [sflag:s0], s1  }
0xb5: {  	s1 =	ssub.s32 @!p0 $0x0, s1;
	[sflag:s0] =	ssyncset.done @!p0 $0x0  }
0xb6: {  	[sflag:s0] =	ssyncadd.s32 @!p0 s1  }
0xb7: {  	[bflag:$0x3] =	sbarrier.arrive $0xFFFF  }
0xb8: {  	_ =	shalt  }

</sc_bundles>
